<compile_context>
chip_gen: v7x
topology: tpu7x:2x2x1
jax: 0.10.2.dev20260603
libtpu: 0.0.44.dev20260713+nightly
codegen_flags: <defaults>
</compile_context>

<pallas_src>
import functools

import jax
import jax.numpy as jnp
from jax import lax
from jax.experimental import pallas as pl
from jax.experimental.pallas import tpu as pltpu
from jax.experimental.pallas import tpu_sc as plsc

VOCAB = 1000000
EMBED = 64
BATCH = 4096
HIST = 200
TOTAL = BATCH * HIST

NC, NS = 2, 16
NW = NC * NS
BPW = TOTAL // NW
BATW = BATCH // NW
IDXW = 80
NBAT = 2
CHUNK = NBAT * HIST
GATHERS = CHUNK // IDXW
NCHUNKS = BPW // CHUNK
SCALE = 8.0

_mesh = plsc.VectorSubcoreMesh(core_axis_name="c", subcore_axis_name="s")


@functools.partial(
    pl.kernel,
    out_type=jax.ShapeDtypeStruct((BATCH, HIST, EMBED), jnp.float32),
    mesh=_mesh,
    scratch_types=[
        pltpu.VMEM((BPW,), jnp.int32),
        pltpu.VMEM((2, CHUNK, EMBED), jnp.float32),
        pltpu.SemaphoreType.DMA,
        pltpu.SemaphoreType.DMA,
    ],
    compiler_params=pltpu.CompilerParams(use_tc_tiling_on_sc=False),
)
def _gather_scale(x_hbm, emb_hbm, out_hbm, idx_v, rows_v, sem0, sem1):
    wid = lax.axis_index("s") * NC + lax.axis_index("c")
    base = wid * BPW
    bat0 = wid * BATW
    sems = (sem0, sem1)

    pltpu.sync_copy(x_hbm.at[pl.ds(pl.multiple_of(base, BPW), BPW)], idx_v)

    def fire(buf, chunk):
        for g in range(GATHERS):
            off = pl.multiple_of(chunk * CHUNK + g * IDXW, IDXW)
            pltpu.async_copy(
                emb_hbm.at[idx_v.at[pl.ds(off, IDXW)]],
                rows_v.at[buf, pl.ds(g * IDXW, IDXW)],
                sems[buf],
            )

    def drain(buf):
        for g in range(GATHERS):
            pltpu.make_async_copy(
                emb_hbm.at[idx_v.at[pl.ds(g * IDXW, IDXW)]],
                rows_v.at[buf, pl.ds(g * IDXW, IDXW)],
                sems[buf],
            ).wait()

    fire(0, 0)

    @pl.loop(0, NCHUNKS, step=2)
    def _steps(ci):
        for b in (0, 1):
            cur = ci + b

            @pl.when(cur + 1 < NCHUNKS)
            def _():
                fire(1 - b, cur + 1)

            drain(b)

            @plsc.parallel_loop(0, CHUNK, step=1, unroll=8)
            def _scale(r):
                for j in range(EMBED // 16):
                    sl = pl.ds(j * 16, 16)
                    rows_v[b, r, sl] = rows_v[b, r, sl] * SCALE

            for k in range(NBAT):
                pltpu.sync_copy(
                    rows_v.at[b, pl.ds(k * HIST, HIST)],
                    out_hbm.at[bat0 + cur * NBAT + k],
                )


def kernel(x, embedding):
    x2 = x.reshape(TOTAL)
    return _gather_scale(x2, embedding)

# --- scband reference (transcript-rebuilt; emitter-appended) ---
"""Pipeline reference for scband-embedder-2491081032210 (READ-ONLY COPY).

The authoritative reference and input builder live on the scoring server;
editing this copy changes nothing except your own understanding.
"""

import jax, jax.numpy as jnp
import numpy as np

VOCAB = 1000000
EMBED = 64
BATCH = 4096
HIST = 200


def setup_inputs(seed: int = 0) -> dict:
    key = jax.random.key(seed)
    k1, k2 = jax.random.split(key)
    x = jax.random.randint(k1, (BATCH, HIST), 0, VOCAB, dtype=jnp.int32)
    # variance_scaling(scale=1.0, mode='fan_in', distribution='normal', in_axis=1, out_axis=0)
    # fan_in = shape[in_axis] = EMBED, so std = sqrt(1.0 / EMBED)
    std = np.sqrt(1.0 / EMBED).astype(np.float32)
    embedding = jax.random.normal(k2, (VOCAB, EMBED), dtype=jnp.float32) * std
    return {"x": x, "embedding": embedding}


def reference(x, embedding):
    # Embedder.encode: gather rows, promote dtype (float32), optional sqrt(dim) scale
    out = embedding[x,]
    out = out.astype(jnp.float32)
    scale = jnp.sqrt(jnp.float32(EMBED)).astype(jnp.bfloat16)
    out = out * scale
    return out

if __name__ == "__main__":
    import jax
    _d = setup_inputs()
    print(jax.jit(kernel)(*tuple(_d.values())))

</pallas_src>

<mosaic_0001>
#map = affine_map<(d0, d1) -> (0)>
#map1 = affine_map<(d0, d1) -> (0, 0)>
#map2 = affine_map<(d0, d1) -> (0, 0, 0)>
module attributes {stable_mosaic.version = 14 : i64} {
  func.func @_gather_scale(%arg0: i32, %arg1: i32, %arg2: memref<819200xi32, #tpu.memory_space<hbm>>, %arg3: memref<1000000x64xf32, #tpu.memory_space<hbm>>, %arg4: memref<4096x200x64xf32, #tpu.memory_space<hbm>>, %arg5: memref<25600xi32, #tpu.memory_space<vmem>>, %arg6: memref<2x400x64xf32, #tpu.memory_space<vmem>>, %arg7: memref<!tpu.dma_semaphore, #tpu.memory_space<semaphore_mem>>, %arg8: memref<!tpu.dma_semaphore, #tpu.memory_space<semaphore_mem>>) attributes {dimension_semantics = [#tpu.dimension_semantics<core_parallel>, #tpu.dimension_semantics<subcore_parallel>], iteration_bounds = array<i64: 2, 16>, scalar_prefetch = 0 : i64, scratch_operands = 4 : i64, tpu.core_type = #tpu.core_type<sc_vector_subcore>, window_params = [{transform_indices = #map}, {transform_indices = #map1}, {transform_indices = #map2}]} {
    %mul3A = arith.constant 2 : i32
    %mul3A_0 = arith.muli %arg1, %mul3A : i32
    %add3A = arith.addi %mul3A_0, %arg0 : i32
    %mul3A_1 = arith.constant 25600 : i32
    %mul3A_2 = arith.muli %add3A, %mul3A_1 : i32
    %mul3A_3 = arith.constant 128 : i32
    %mul3A_4 = arith.muli %add3A, %mul3A_3 : i32
    %multiple_of3A = tpu.assume_multiple %mul3A_2, 25600 : i32
    "tpu.region"() ({
      %run_scoped3A = tpu.sem_alloc : memref<!tpu.dma_semaphore, #tpu.memory_space<semaphore_mem>>
      %dma_start3A_63 = tpu.memref_slice %arg2[%multiple_of3A] : memref<819200xi32, #tpu.memory_space<hbm>> -> memref<25600xi32, #tpu.memory_space<hbm>>
      %dma_start3A_64 = tpu.memref_slice %arg2[%multiple_of3A] : memref<819200xi32, #tpu.memory_space<hbm>> -> memref<25600xi32, #tpu.memory_space<hbm>>
      tpu.enqueue_dma source(%dma_start3A_64 : memref<25600xi32, #tpu.memory_space<hbm>>) target(%arg5 : memref<25600xi32, #tpu.memory_space<vmem>>) target_semaphore(%run_scoped3A : memref<!tpu.dma_semaphore, #tpu.memory_space<semaphore_mem>>)
      %dma_wait3A = tpu.memref_slice %arg2[%multiple_of3A] : memref<819200xi32, #tpu.memory_space<hbm>> -> memref<25600xi32, #tpu.memory_space<hbm>>
      %dma_wait3A_65 = tpu.memref_slice %arg2[%multiple_of3A] : memref<819200xi32, #tpu.memory_space<hbm>> -> memref<25600xi32, #tpu.memory_space<hbm>>
      tpu.wait_dma2 semaphore(%run_scoped3A : memref<!tpu.dma_semaphore, #tpu.memory_space<semaphore_mem>>) src(%dma_wait3A_65 : memref<25600xi32, #tpu.memory_space<hbm>>) dst(%arg5 : memref<25600xi32, #tpu.memory_space<vmem>>)
      tpu.yield
    }) : () -> ()
    %multiple_of3A_5 = arith.constant 0 : i32
    %multiple_of3A_6 = tpu.assume_multiple %multiple_of3A_5, 80 : i32
    %dma_start3A = arith.constant 0 : i32
    %dma_start3A_7 = arith.constant 0 : i32
    %dma_start3A_8 = arith.constant 0 : i32
    %dma_start3A_9 = tpu.memref_slice %arg6[%dma_start3A, %dma_start3A_7, %dma_start3A_8] : memref<2x400x64xf32, #tpu.memory_space<vmem>> -> memref<1x80x64xf32, #tpu.memory_space<vmem>>
    %dma_start3A_10 = tpu.memref_squeeze %dma_start3A_9 : memref<1x80x64xf32, #tpu.memory_space<vmem>> -> memref<80x64xf32, #tpu.memory_space<vmem>>
    %dma_start3A_11 = tpu.memref_slice %arg5[%multiple_of3A_6] : memref<25600xi32, #tpu.memory_space<vmem>> -> memref<80xi32, #tpu.memory_space<vmem>>
    %dma_start3A_12 = arith.constant 0 : i32
    %dma_start3A_13 = arith.constant 0 : i32
    %dma_start3A_14 = tpu.memref_slice %arg3[%dma_start3A_12, %dma_start3A_13] : memref<1000000x64xf32, #tpu.memory_space<hbm>> -> memref<1000000x64xf32, #tpu.memory_space<hbm>>
    tpu.enqueue_indirect_dma source(%dma_start3A_14 : memref<1000000x64xf32, #tpu.memory_space<hbm>>) target(%dma_start3A_10 : memref<80x64xf32, #tpu.memory_space<vmem>>) offsets(%dma_start3A_11 : memref<80xi32, #tpu.memory_space<vmem>>) semaphore(%arg7 : memref<!tpu.dma_semaphore, #tpu.memory_space<semaphore_mem>>)
    %multiple_of3A_15 = arith.constant 80 : i32
    %multiple_of3A_16 = tpu.assume_multiple %multiple_of3A_15, 80 : i32
    %dma_start3A_17 = arith.constant 0 : i32
    %dma_start3A_18 = arith.constant 80 : i32
    %dma_start3A_19 = arith.constant 0 : i32
    %dma_start3A_20 = tpu.memref_slice %arg6[%dma_start3A_17, %dma_start3A_18, %dma_start3A_19] : memref<2x400x64xf32, #tpu.memory_space<vmem>> -> memref<1x80x64xf32, #tpu.memory_space<vmem>>
    %dma_start3A_21 = tpu.memref_squeeze %dma_start3A_20 : memref<1x80x64xf32, #tpu.memory_space<vmem>> -> memref<80x64xf32, #tpu.memory_space<vmem>>
    %dma_start3A_22 = tpu.memref_slice %arg5[%multiple_of3A_16] : memref<25600xi32, #tpu.memory_space<vmem>> -> memref<80xi32, #tpu.memory_space<vmem>>
    %dma_start3A_23 = arith.constant 0 : i32
    %dma_start3A_24 = arith.constant 0 : i32
    %dma_start3A_25 = tpu.memref_slice %arg3[%dma_start3A_23, %dma_start3A_24] : memref<1000000x64xf32, #tpu.memory_space<hbm>> -> memref<1000000x64xf32, #tpu.memory_space<hbm>>
    tpu.enqueue_indirect_dma source(%dma_start3A_25 : memref<1000000x64xf32, #tpu.memory_space<hbm>>) target(%dma_start3A_21 : memref<80x64xf32, #tpu.memory_space<vmem>>) offsets(%dma_start3A_22 : memref<80xi32, #tpu.memory_space<vmem>>) semaphore(%arg7 : memref<!tpu.dma_semaphore, #tpu.memory_space<semaphore_mem>>)
    %multiple_of3A_26 = arith.constant 160 : i32
    %multiple_of3A_27 = tpu.assume_multiple %multiple_of3A_26, 80 : i32
    %dma_start3A_28 = arith.constant 0 : i32
    %dma_start3A_29 = arith.constant 160 : i32
    %dma_start3A_30 = arith.constant 0 : i32
    %dma_start3A_31 = tpu.memref_slice %arg6[%dma_start3A_28, %dma_start3A_29, %dma_start3A_30] : memref<2x400x64xf32, #tpu.memory_space<vmem>> -> memref<1x80x64xf32, #tpu.memory_space<vmem>>
    %dma_start3A_32 = tpu.memref_squeeze %dma_start3A_31 : memref<1x80x64xf32, #tpu.memory_space<vmem>> -> memref<80x64xf32, #tpu.memory_space<vmem>>
    %dma_start3A_33 = tpu.memref_slice %arg5[%multiple_of3A_27] : memref<25600xi32, #tpu.memory_space<vmem>> -> memref<80xi32, #tpu.memory_space<vmem>>
    %dma_start3A_34 = arith.constant 0 : i32
    %dma_start3A_35 = arith.constant 0 : i32
    %dma_start3A_36 = tpu.memref_slice %arg3[%dma_start3A_34, %dma_start3A_35] : memref<1000000x64xf32, #tpu.memory_space<hbm>> -> memref<1000000x64xf32, #tpu.memory_space<hbm>>
    tpu.enqueue_indirect_dma source(%dma_start3A_36 : memref<1000000x64xf32, #tpu.memory_space<hbm>>) target(%dma_start3A_32 : memref<80x64xf32, #tpu.memory_space<vmem>>) offsets(%dma_start3A_33 : memref<80xi32, #tpu.memory_space<vmem>>) semaphore(%arg7 : memref<!tpu.dma_semaphore, #tpu.memory_space<semaphore_mem>>)
    %multiple_of3A_37 = arith.constant 240 : i32
    %multiple_of3A_38 = tpu.assume_multiple %multiple_of3A_37, 80 : i32
    %dma_start3A_39 = arith.constant 0 : i32
    %dma_start3A_40 = arith.constant 240 : i32
    %dma_start3A_41 = arith.constant 0 : i32
    %dma_start3A_42 = tpu.memref_slice %arg6[%dma_start3A_39, %dma_start3A_40, %dma_start3A_41] : memref<2x400x64xf32, #tpu.memory_space<vmem>> -> memref<1x80x64xf32, #tpu.memory_space<vmem>>
    %dma_start3A_43 = tpu.memref_squeeze %dma_start3A_42 : memref<1x80x64xf32, #tpu.memory_space<vmem>> -> memref<80x64xf32, #tpu.memory_space<vmem>>
    %dma_start3A_44 = tpu.memref_slice %arg5[%multiple_of3A_38] : memref<25600xi32, #tpu.memory_space<vmem>> -> memref<80xi32, #tpu.memory_space<vmem>>
    %dma_start3A_45 = arith.constant 0 : i32
    %dma_start3A_46 = arith.constant 0 : i32
    %dma_start3A_47 = tpu.memref_slice %arg3[%dma_start3A_45, %dma_start3A_46] : memref<1000000x64xf32, #tpu.memory_space<hbm>> -> memref<1000000x64xf32, #tpu.memory_space<hbm>>
    tpu.enqueue_indirect_dma source(%dma_start3A_47 : memref<1000000x64xf32, #tpu.memory_space<hbm>>) target(%dma_start3A_43 : memref<80x64xf32, #tpu.memory_space<vmem>>) offsets(%dma_start3A_44 : memref<80xi32, #tpu.memory_space<vmem>>) semaphore(%arg7 : memref<!tpu.dma_semaphore, #tpu.memory_space<semaphore_mem>>)
    %multiple_of3A_48 = arith.constant 320 : i32
    %multiple_of3A_49 = tpu.assume_multiple %multiple_of3A_48, 80 : i32
    %dma_start3A_50 = arith.constant 0 : i32
    %dma_start3A_51 = arith.constant 320 : i32
    %dma_start3A_52 = arith.constant 0 : i32
    %dma_start3A_53 = tpu.memref_slice %arg6[%dma_start3A_50, %dma_start3A_51, %dma_start3A_52] : memref<2x400x64xf32, #tpu.memory_space<vmem>> -> memref<1x80x64xf32, #tpu.memory_space<vmem>>
    %dma_start3A_54 = tpu.memref_squeeze %dma_start3A_53 : memref<1x80x64xf32, #tpu.memory_space<vmem>> -> memref<80x64xf32, #tpu.memory_space<vmem>>
    %dma_start3A_55 = tpu.memref_slice %arg5[%multiple_of3A_49] : memref<25600xi32, #tpu.memory_space<vmem>> -> memref<80xi32, #tpu.memory_space<vmem>>
    %dma_start3A_56 = arith.constant 0 : i32
    %dma_start3A_57 = arith.constant 0 : i32
    %dma_start3A_58 = tpu.memref_slice %arg3[%dma_start3A_56, %dma_start3A_57] : memref<1000000x64xf32, #tpu.memory_space<hbm>> -> memref<1000000x64xf32, #tpu.memory_space<hbm>>
    tpu.enqueue_indirect_dma source(%dma_start3A_58 : memref<1000000x64xf32, #tpu.memory_space<hbm>>) target(%dma_start3A_54 : memref<80x64xf32, #tpu.memory_space<vmem>>) offsets(%dma_start3A_55 : memref<80xi32, #tpu.memory_space<vmem>>) semaphore(%arg7 : memref<!tpu.dma_semaphore, #tpu.memory_space<semaphore_mem>>)
    %scan3A = arith.constant 0 : i32
    %scan3A_59 = arith.constant 32 : i32
    %scan3A_60 = arith.addi %scan3A, %scan3A_59 : i32
    %scan3A_61 = arith.constant 1 : i32
    scf.for %scan3A_63 = %scan3A to %scan3A_60 step %scan3A_61  : i32 {
      %mul3A_64 = arith.constant 2 : i32
      %mul3A_65 = arith.muli %scan3A_63, %mul3A_64 : i32
      %add3A_66 = arith.constant 0 : i32
      %add3A_67 = arith.addi %add3A_66, %mul3A_65 : i32
      %add3A_68 = arith.constant 0 : i32
      %add3A_69 = arith.addi %add3A_67, %add3A_68 : i32
      %add3A_70 = arith.constant 1 : i32
      %add3A_71 = arith.addi %add3A_69, %add3A_70 : i32
      %lt3A = arith.constant 64 : i32
      %lt3A_72 = arith.cmpi slt, %add3A_71, %lt3A : i32
      %convert_element_type3A = arith.extui %lt3A_72 : i1 to i32
      %cond3A = arith.constant 0 : i32
      %cond3A_73 = arith.cmpi ne, %convert_element_type3A, %cond3A : i32
      scf.if %cond3A_73 {
        %add3A_210 = arith.constant 1 : i32
        %add3A_211 = arith.addi %add3A_69, %add3A_210 : i32
        %mul3A_212 = arith.constant 400 : i32
        %mul3A_213 = arith.muli %add3A_211, %mul3A_212 : i32
        %add3A_214 = arith.constant 0 : i32
        %add3A_215 = arith.addi %mul3A_213, %add3A_214 : i32
        %multiple_of3A_216 = tpu.assume_multiple %add3A_215, 80 : i32
        %dma_start3A_217 = arith.constant 1 : i32
        %dma_start3A_218 = arith.constant 0 : i32
        %dma_start3A_219 = arith.constant 0 : i32
        %dma_start3A_220 = tpu.memref_slice %arg6[%dma_start3A_217, %dma_start3A_218, %dma_start3A_219] : memref<2x400x64xf32, #tpu.memory_space<vmem>> -> memref<1x80x64xf32, #tpu.memory_space<vmem>>
        %dma_start3A_221 = tpu.memref_squeeze %dma_start3A_220 : memref<1x80x64xf32, #tpu.memory_space<vmem>> -> memref<80x64xf32, #tpu.memory_space<vmem>>
        %dma_start3A_222 = tpu.memref_slice %arg5[%multiple_of3A_216] : memref<25600xi32, #tpu.memory_space<vmem>> -> memref<80xi32, #tpu.memory_space<vmem>>
        %dma_start3A_223 = arith.constant 0 : i32
        %dma_start3A_224 = arith.constant 0 : i32
        %dma_start3A_225 = tpu.memref_slice %arg3[%dma_start3A_223, %dma_start3A_224] : memref<1000000x64xf32, #tpu.memory_space<hbm>> -> memref<1000000x64xf32, #tpu.memory_space<hbm>>
        tpu.enqueue_indirect_dma source(%dma_start3A_225 : memref<1000000x64xf32, #tpu.memory_space<hbm>>) target(%dma_start3A_221 : memref<80x64xf32, #tpu.memory_space<vmem>>) offsets(%dma_start3A_222 : memref<80xi32, #tpu.memory_space<vmem>>) semaphore(%arg8 : memref<!tpu.dma_semaphore, #tpu.memory_space<semaphore_mem>>)
        %mul3A_226 = arith.constant 400 : i32
        %mul3A_227 = arith.muli %add3A_211, %mul3A_226 : i32
        %add3A_228 = arith.constant 80 : i32
        %add3A_229 = arith.addi %mul3A_227, %add3A_228 : i32
        %multiple_of3A_230 = tpu.assume_multiple %add3A_229, 80 : i32
        %dma_start3A_231 = arith.constant 1 : i32
        %dma_start3A_232 = arith.constant 80 : i32
        %dma_start3A_233 = arith.constant 0 : i32
        %dma_start3A_234 = tpu.memref_slice %arg6[%dma_start3A_231, %dma_start3A_232, %dma_start3A_233] : memref<2x400x64xf32, #tpu.memory_space<vmem>> -> memref<1x80x64xf32, #tpu.memory_space<vmem>>
        %dma_start3A_235 = tpu.memref_squeeze %dma_start3A_234 : memref<1x80x64xf32, #tpu.memory_space<vmem>> -> memref<80x64xf32, #tpu.memory_space<vmem>>
        %dma_start3A_236 = tpu.memref_slice %arg5[%multiple_of3A_230] : memref<25600xi32, #tpu.memory_space<vmem>> -> memref<80xi32, #tpu.memory_space<vmem>>
        %dma_start3A_237 = arith.constant 0 : i32
        %dma_start3A_238 = arith.constant 0 : i32
        %dma_start3A_239 = tpu.memref_slice %arg3[%dma_start3A_237, %dma_start3A_238] : memref<1000000x64xf32, #tpu.memory_space<hbm>> -> memref<1000000x64xf32, #tpu.memory_space<hbm>>
        tpu.enqueue_indirect_dma source(%dma_start3A_239 : memref<1000000x64xf32, #tpu.memory_space<hbm>>) target(%dma_start3A_235 : memref<80x64xf32, #tpu.memory_space<vmem>>) offsets(%dma_start3A_236 : memref<80xi32, #tpu.memory_space<vmem>>) semaphore(%arg8 : memref<!tpu.dma_semaphore, #tpu.memory_space<semaphore_mem>>)
        %mul3A_240 = arith.constant 400 : i32
        %mul3A_241 = arith.muli %add3A_211, %mul3A_240 : i32
        %add3A_242 = arith.constant 160 : i32
        %add3A_243 = arith.addi %mul3A_241, %add3A_242 : i32
        %multiple_of3A_244 = tpu.assume_multiple %add3A_243, 80 : i32
        %dma_start3A_245 = arith.constant 1 : i32
        %dma_start3A_246 = arith.constant 160 : i32
        %dma_start3A_247 = arith.constant 0 : i32
        %dma_start3A_248 = tpu.memref_slice %arg6[%dma_start3A_245, %dma_start3A_246, %dma_start3A_247] : memref<2x400x64xf32, #tpu.memory_space<vmem>> -> memref<1x80x64xf32, #tpu.memory_space<vmem>>
        %dma_start3A_249 = tpu.memref_squeeze %dma_start3A_248 : memref<1x80x64xf32, #tpu.memory_space<vmem>> -> memref<80x64xf32, #tpu.memory_space<vmem>>
        %dma_start3A_250 = tpu.memref_slice %arg5[%multiple_of3A_244] : memref<25600xi32, #tpu.memory_space<vmem>> -> memref<80xi32, #tpu.memory_space<vmem>>
        %dma_start3A_251 = arith.constant 0 : i32
        %dma_start3A_252 = arith.constant 0 : i32
        %dma_start3A_253 = tpu.memref_slice %arg3[%dma_start3A_251, %dma_start3A_252] : memref<1000000x64xf32, #tpu.memory_space<hbm>> -> memref<1000000x64xf32, #tpu.memory_space<hbm>>
        tpu.enqueue_indirect_dma source(%dma_start3A_253 : memref<1000000x64xf32, #tpu.memory_space<hbm>>) target(%dma_start3A_249 : memref<80x64xf32, #tpu.memory_space<vmem>>) offsets(%dma_start3A_250 : memref<80xi32, #tpu.memory_space<vmem>>) semaphore(%arg8 : memref<!tpu.dma_semaphore, #tpu.memory_space<semaphore_mem>>)
        %mul3A_254 = arith.constant 400 : i32
        %mul3A_255 = arith.muli %add3A_211, %mul3A_254 : i32
        %add3A_256 = arith.constant 240 : i32
        %add3A_257 = arith.addi %mul3A_255, %add3A_256 : i32
        %multiple_of3A_258 = tpu.assume_multiple %add3A_257, 80 : i32
        %dma_start3A_259 = arith.constant 1 : i32
        %dma_start3A_260 = arith.constant 240 : i32
        %dma_start3A_261 = arith.constant 0 : i32
        %dma_start3A_262 = tpu.memref_slice %arg6[%dma_start3A_259, %dma_start3A_260, %dma_start3A_261] : memref<2x400x64xf32, #tpu.memory_space<vmem>> -> memref<1x80x64xf32, #tpu.memory_space<vmem>>
        %dma_start3A_263 = tpu.memref_squeeze %dma_start3A_262 : memref<1x80x64xf32, #tpu.memory_space<vmem>> -> memref<80x64xf32, #tpu.memory_space<vmem>>
        %dma_start3A_264 = tpu.memref_slice %arg5[%multiple_of3A_258] : memref<25600xi32, #tpu.memory_space<vmem>> -> memref<80xi32, #tpu.memory_space<vmem>>
        %dma_start3A_265 = arith.constant 0 : i32
        %dma_start3A_266 = arith.constant 0 : i32
        %dma_start3A_267 = tpu.memref_slice %arg3[%dma_start3A_265, %dma_start3A_266] : memref<1000000x64xf32, #tpu.memory_space<hbm>> -> memref<1000000x64xf32, #tpu.memory_space<hbm>>
        tpu.enqueue_indirect_dma source(%dma_start3A_267 : memref<1000000x64xf32, #tpu.memory_space<hbm>>) target(%dma_start3A_263 : memref<80x64xf32, #tpu.memory_space<vmem>>) offsets(%dma_start3A_264 : memref<80xi32, #tpu.memory_space<vmem>>) semaphore(%arg8 : memref<!tpu.dma_semaphore, #tpu.memory_space<semaphore_mem>>)
        %mul3A_268 = arith.constant 400 : i32
        %mul3A_269 = arith.muli %add3A_211, %mul3A_268 : i32
        %add3A_270 = arith.constant 320 : i32
        %add3A_271 = arith.addi %mul3A_269, %add3A_270 : i32
        %multiple_of3A_272 = tpu.assume_multiple %add3A_271, 80 : i32
        %dma_start3A_273 = arith.constant 1 : i32
        %dma_start3A_274 = arith.constant 320 : i32
        %dma_start3A_275 = arith.constant 0 : i32
        %dma_start3A_276 = tpu.memref_slice %arg6[%dma_start3A_273, %dma_start3A_274, %dma_start3A_275] : memref<2x400x64xf32, #tpu.memory_space<vmem>> -> memref<1x80x64xf32, #tpu.memory_space<vmem>>
        %dma_start3A_277 = tpu.memref_squeeze %dma_start3A_276 : memref<1x80x64xf32, #tpu.memory_space<vmem>> -> memref<80x64xf32, #tpu.memory_space<vmem>>
        %dma_start3A_278 = tpu.memref_slice %arg5[%multiple_of3A_272] : memref<25600xi32, #tpu.memory_space<vmem>> -> memref<80xi32, #tpu.memory_space<vmem>>
        %dma_start3A_279 = arith.constant 0 : i32
        %dma_start3A_280 = arith.constant 0 : i32
        %dma_start3A_281 = tpu.memref_slice %arg3[%dma_start3A_279, %dma_start3A_280] : memref<1000000x64xf32, #tpu.memory_space<hbm>> -> memref<1000000x64xf32, #tpu.memory_space<hbm>>
        tpu.enqueue_indirect_dma source(%dma_start3A_281 : memref<1000000x64xf32, #tpu.memory_space<hbm>>) target(%dma_start3A_277 : memref<80x64xf32, #tpu.memory_space<vmem>>) offsets(%dma_start3A_278 : memref<80xi32, #tpu.memory_space<vmem>>) semaphore(%arg8 : memref<!tpu.dma_semaphore, #tpu.memory_space<semaphore_mem>>)
      } else {
      }
      %dma_wait3A = arith.constant 0 : i32
      %dma_wait3A_74 = arith.constant 0 : i32
      %dma_wait3A_75 = arith.constant 0 : i32
      %dma_wait3A_76 = tpu.memref_slice %arg6[%dma_wait3A, %dma_wait3A_74, %dma_wait3A_75] : memref<2x400x64xf32, #tpu.memory_space<vmem>> -> memref<1x80x64xf32, #tpu.memory_space<vmem>>
      %dma_wait3A_77 = tpu.memref_squeeze %dma_wait3A_76 : memref<1x80x64xf32, #tpu.memory_space<vmem>> -> memref<80x64xf32, #tpu.memory_space<vmem>>
      %dma_wait3A_78 = arith.constant 0 : i32
      %dma_wait3A_79 = tpu.memref_slice %arg5[%dma_wait3A_78] : memref<25600xi32, #tpu.memory_space<vmem>> -> memref<80xi32, #tpu.memory_space<vmem>>
      %dma_wait3A_80 = arith.constant 0 : i32
      %dma_wait3A_81 = arith.constant 0 : i32
      %dma_wait3A_82 = tpu.memref_slice %arg3[%dma_wait3A_80, %dma_wait3A_81] : memref<1000000x64xf32, #tpu.memory_space<hbm>> -> memref<1000000x64xf32, #tpu.memory_space<hbm>>
      tpu.wait_indirect_dma semaphore(%arg7 : memref<!tpu.dma_semaphore, #tpu.memory_space<semaphore_mem>>) src(%dma_wait3A_82 : memref<1000000x64xf32, #tpu.memory_space<hbm>>) dst(%dma_wait3A_77 : memref<80x64xf32, #tpu.memory_space<vmem>>)
      %dma_wait3A_83 = arith.constant 0 : i32
      %dma_wait3A_84 = arith.constant 80 : i32
      %dma_wait3A_85 = arith.constant 0 : i32
      %dma_wait3A_86 = tpu.memref_slice %arg6[%dma_wait3A_83, %dma_wait3A_84, %dma_wait3A_85] : memref<2x400x64xf32, #tpu.memory_space<vmem>> -> memref<1x80x64xf32, #tpu.memory_space<vmem>>
      %dma_wait3A_87 = tpu.memref_squeeze %dma_wait3A_86 : memref<1x80x64xf32, #tpu.memory_space<vmem>> -> memref<80x64xf32, #tpu.memory_space<vmem>>
      %dma_wait3A_88 = arith.constant 80 : i32
      %dma_wait3A_89 = tpu.memref_slice %arg5[%dma_wait3A_88] : memref<25600xi32, #tpu.memory_space<vmem>> -> memref<80xi32, #tpu.memory_space<vmem>>
      %dma_wait3A_90 = arith.constant 0 : i32
      %dma_wait3A_91 = arith.constant 0 : i32
      %dma_wait3A_92 = tpu.memref_slice %arg3[%dma_wait3A_90, %dma_wait3A_91] : memref<1000000x64xf32, #tpu.memory_space<hbm>> -> memref<1000000x64xf32, #tpu.memory_space<hbm>>
      tpu.wait_indirect_dma semaphore(%arg7 : memref<!tpu.dma_semaphore, #tpu.memory_space<semaphore_mem>>) src(%dma_wait3A_92 : memref<1000000x64xf32, #tpu.memory_space<hbm>>) dst(%dma_wait3A_87 : memref<80x64xf32, #tpu.memory_space<vmem>>)
      %dma_wait3A_93 = arith.constant 0 : i32
      %dma_wait3A_94 = arith.constant 160 : i32
      %dma_wait3A_95 = arith.constant 0 : i32
      %dma_wait3A_96 = tpu.memref_slice %arg6[%dma_wait3A_93, %dma_wait3A_94, %dma_wait3A_95] : memref<2x400x64xf32, #tpu.memory_space<vmem>> -> memref<1x80x64xf32, #tpu.memory_space<vmem>>
      %dma_wait3A_97 = tpu.memref_squeeze %dma_wait3A_96 : memref<1x80x64xf32, #tpu.memory_space<vmem>> -> memref<80x64xf32, #tpu.memory_space<vmem>>
      %dma_wait3A_98 = arith.constant 160 : i32
      %dma_wait3A_99 = tpu.memref_slice %arg5[%dma_wait3A_98] : memref<25600xi32, #tpu.memory_space<vmem>> -> memref<80xi32, #tpu.memory_space<vmem>>
      %dma_wait3A_100 = arith.constant 0 : i32
      %dma_wait3A_101 = arith.constant 0 : i32
      %dma_wait3A_102 = tpu.memref_slice %arg3[%dma_wait3A_100, %dma_wait3A_101] : memref<1000000x64xf32, #tpu.memory_space<hbm>> -> memref<1000000x64xf32, #tpu.memory_space<hbm>>
      tpu.wait_indirect_dma semaphore(%arg7 : memref<!tpu.dma_semaphore, #tpu.memory_space<semaphore_mem>>) src(%dma_wait3A_102 : memref<1000000x64xf32, #tpu.memory_space<hbm>>) dst(%dma_wait3A_97 : memref<80x64xf32, #tpu.memory_space<vmem>>)
      %dma_wait3A_103 = arith.constant 0 : i32
      %dma_wait3A_104 = arith.constant 240 : i32
      %dma_wait3A_105 = arith.constant 0 : i32
      %dma_wait3A_106 = tpu.memref_slice %arg6[%dma_wait3A_103, %dma_wait3A_104, %dma_wait3A_105] : memref<2x400x64xf32, #tpu.memory_space<vmem>> -> memref<1x80x64xf32, #tpu.memory_space<vmem>>
      %dma_wait3A_107 = tpu.memref_squeeze %dma_wait3A_106 : memref<1x80x64xf32, #tpu.memory_space<vmem>> -> memref<80x64xf32, #tpu.memory_space<vmem>>
      %dma_wait3A_108 = arith.constant 240 : i32
      %dma_wait3A_109 = tpu.memref_slice %arg5[%dma_wait3A_108] : memref<25600xi32, #tpu.memory_space<vmem>> -> memref<80xi32, #tpu.memory_space<vmem>>
      %dma_wait3A_110 = arith.constant 0 : i32
      %dma_wait3A_111 = arith.constant 0 : i32
      %dma_wait3A_112 = tpu.memref_slice %arg3[%dma_wait3A_110, %dma_wait3A_111] : memref<1000000x64xf32, #tpu.memory_space<hbm>> -> memref<1000000x64xf32, #tpu.memory_space<hbm>>
      tpu.wait_indirect_dma semaphore(%arg7 : memref<!tpu.dma_semaphore, #tpu.memory_space<semaphore_mem>>) src(%dma_wait3A_112 : memref<1000000x64xf32, #tpu.memory_space<hbm>>) dst(%dma_wait3A_107 : memref<80x64xf32, #tpu.memory_space<vmem>>)
      %dma_wait3A_113 = arith.constant 0 : i32
      %dma_wait3A_114 = arith.constant 320 : i32
      %dma_wait3A_115 = arith.constant 0 : i32
      %dma_wait3A_116 = tpu.memref_slice %arg6[%dma_wait3A_113, %dma_wait3A_114, %dma_wait3A_115] : memref<2x400x64xf32, #tpu.memory_space<vmem>> -> memref<1x80x64xf32, #tpu.memory_space<vmem>>
      %dma_wait3A_117 = tpu.memref_squeeze %dma_wait3A_116 : memref<1x80x64xf32, #tpu.memory_space<vmem>> -> memref<80x64xf32, #tpu.memory_space<vmem>>
      %dma_wait3A_118 = arith.constant 320 : i32
      %dma_wait3A_119 = tpu.memref_slice %arg5[%dma_wait3A_118] : memref<25600xi32, #tpu.memory_space<vmem>> -> memref<80xi32, #tpu.memory_space<vmem>>
      %dma_wait3A_120 = arith.constant 0 : i32
      %dma_wait3A_121 = arith.constant 0 : i32
      %dma_wait3A_122 = tpu.memref_slice %arg3[%dma_wait3A_120, %dma_wait3A_121] : memref<1000000x64xf32, #tpu.memory_space<hbm>> -> memref<1000000x64xf32, #tpu.memory_space<hbm>>
      tpu.wait_indirect_dma semaphore(%arg7 : memref<!tpu.dma_semaphore, #tpu.memory_space<semaphore_mem>>) src(%dma_wait3A_122 : memref<1000000x64xf32, #tpu.memory_space<hbm>>) dst(%dma_wait3A_117 : memref<80x64xf32, #tpu.memory_space<vmem>>)
      %parallel_loop3A = arith.constant 0 : i32
      %parallel_loop3A_123 = arith.constant 400 : i32
      %parallel_loop3A_124 = arith.constant 1 : i32
      scf.for %parallel_loop3A_210 = %parallel_loop3A to %parallel_loop3A_123 step %parallel_loop3A_124  : i32 {
        %parallel_loop3A_211 = arith.constant 0 : i32
        %parallel_loop3A_212 = arith.index_cast %parallel_loop3A_211 : i32 to index
        %parallel_loop3A_213 = arith.index_cast %parallel_loop3A_210 : i32 to index
        %parallel_loop3A_214 = arith.constant 0 : index
        %parallel_loop3A_215 = tpu.vector_load %arg6[%parallel_loop3A_212, %parallel_loop3A_213, %parallel_loop3A_214] {strides = array<i32>} : memref<2x400x64xf32, #tpu.memory_space<vmem>>, vector<1x1x16xf32>,
        %parallel_loop3A_216 = vector.shape_cast %parallel_loop3A_215 : vector<1x1x16xf32> to vector<16xf32>
        %parallel_loop3A_217 = arith.constant 8.000000e+00 : f32
        %parallel_loop3A_218 = vector.broadcast %parallel_loop3A_217 : f32 to vector<16xf32>
        %parallel_loop3A_219 = arith.mulf %parallel_loop3A_216, %parallel_loop3A_218 : vector<16xf32>
        %parallel_loop3A_220 = arith.constant 0 : i32
        %parallel_loop3A_221 = arith.index_cast %parallel_loop3A_220 : i32 to index
        %parallel_loop3A_222 = arith.index_cast %parallel_loop3A_210 : i32 to index
        %parallel_loop3A_223 = arith.constant 0 : index
        %parallel_loop3A_224 = tpu.vector_load %arg6[%parallel_loop3A_221, %parallel_loop3A_222, %parallel_loop3A_223] {strides = array<i32>} : memref<2x400x64xf32, #tpu.memory_space<vmem>>, vector<1x1x16xf32>,
        %parallel_loop3A_225 = vector.shape_cast %parallel_loop3A_224 : vector<1x1x16xf32> to vector<16xf32>
        %parallel_loop3A_226 = vector.shape_cast %parallel_loop3A_219 : vector<16xf32> to vector<1x1x16xf32>
        tpu.vector_store %arg6[%parallel_loop3A_221, %parallel_loop3A_222, %parallel_loop3A_223], %parallel_loop3A_226 {strides = array<i32>} : memref<2x400x64xf32, #tpu.memory_space<vmem>>, vector<1x1x16xf32>,
        %parallel_loop3A_227 = arith.constant 0 : i32
        %parallel_loop3A_228 = arith.index_cast %parallel_loop3A_227 : i32 to index
        %parallel_loop3A_229 = arith.index_cast %parallel_loop3A_210 : i32 to index
        %parallel_loop3A_230 = arith.constant 16 : index
        %parallel_loop3A_231 = tpu.vector_load %arg6[%parallel_loop3A_228, %parallel_loop3A_229, %parallel_loop3A_230] {strides = array<i32>} : memref<2x400x64xf32, #tpu.memory_space<vmem>>, vector<1x1x16xf32>,
        %parallel_loop3A_232 = vector.shape_cast %parallel_loop3A_231 : vector<1x1x16xf32> to vector<16xf32>
        %parallel_loop3A_233 = arith.constant 8.000000e+00 : f32
        %parallel_loop3A_234 = vector.broadcast %parallel_loop3A_233 : f32 to vector<16xf32>
        %parallel_loop3A_235 = arith.mulf %parallel_loop3A_232, %parallel_loop3A_234 : vector<16xf32>
        %parallel_loop3A_236 = arith.constant 0 : i32
        %parallel_loop3A_237 = arith.index_cast %parallel_loop3A_236 : i32 to index
        %parallel_loop3A_238 = arith.index_cast %parallel_loop3A_210 : i32 to index
        %parallel_loop3A_239 = arith.constant 16 : index
        %parallel_loop3A_240 = tpu.vector_load %arg6[%parallel_loop3A_237, %parallel_loop3A_238, %parallel_loop3A_239] {strides = array<i32>} : memref<2x400x64xf32, #tpu.memory_space<vmem>>, vector<1x1x16xf32>,
        %parallel_loop3A_241 = vector.shape_cast %parallel_loop3A_240 : vector<1x1x16xf32> to vector<16xf32>
        %parallel_loop3A_242 = vector.shape_cast %parallel_loop3A_235 : vector<16xf32> to vector<1x1x16xf32>
        tpu.vector_store %arg6[%parallel_loop3A_237, %parallel_loop3A_238, %parallel_loop3A_239], %parallel_loop3A_242 {strides = array<i32>} : memref<2x400x64xf32, #tpu.memory_space<vmem>>, vector<1x1x16xf32>,
        %parallel_loop3A_243 = arith.constant 0 : i32
        %parallel_loop3A_244 = arith.index_cast %parallel_loop3A_243 : i32 to index
        %parallel_loop3A_245 = arith.index_cast %parallel_loop3A_210 : i32 to index
        %parallel_loop3A_246 = arith.constant 32 : index
        %parallel_loop3A_247 = tpu.vector_load %arg6[%parallel_loop3A_244, %parallel_loop3A_245, %parallel_loop3A_246] {strides = array<i32>} : memref<2x400x64xf32, #tpu.memory_space<vmem>>, vector<1x1x16xf32>,
        %parallel_loop3A_248 = vector.shape_cast %parallel_loop3A_247 : vector<1x1x16xf32> to vector<16xf32>
        %parallel_loop3A_249 = arith.constant 8.000000e+00 : f32
        %parallel_loop3A_250 = vector.broadcast %parallel_loop3A_249 : f32 to vector<16xf32>
        %parallel_loop3A_251 = arith.mulf %parallel_loop3A_248, %parallel_loop3A_250 : vector<16xf32>
        %parallel_loop3A_252 = arith.constant 0 : i32
        %parallel_loop3A_253 = arith.index_cast %parallel_loop3A_252 : i32 to index
        %parallel_loop3A_254 = arith.index_cast %parallel_loop3A_210 : i32 to index
        %parallel_loop3A_255 = arith.constant 32 : index
        %parallel_loop3A_256 = tpu.vector_load %arg6[%parallel_loop3A_253, %parallel_loop3A_254, %parallel_loop3A_255] {strides = array<i32>} : memref<2x400x64xf32, #tpu.memory_space<vmem>>, vector<1x1x16xf32>,
        %parallel_loop3A_257 = vector.shape_cast %parallel_loop3A_256 : vector<1x1x16xf32> to vector<16xf32>
        %parallel_loop3A_258 = vector.shape_cast %parallel_loop3A_251 : vector<16xf32> to vector<1x1x16xf32>
        tpu.vector_store %arg6[%parallel_loop3A_253, %parallel_loop3A_254, %parallel_loop3A_255], %parallel_loop3A_258 {strides = array<i32>} : memref<2x400x64xf32, #tpu.memory_space<vmem>>, vector<1x1x16xf32>,
        %parallel_loop3A_259 = arith.constant 0 : i32
        %parallel_loop3A_260 = arith.index_cast %parallel_loop3A_259 : i32 to index
        %parallel_loop3A_261 = arith.index_cast %parallel_loop3A_210 : i32 to index
        %parallel_loop3A_262 = arith.constant 48 : index
        %parallel_loop3A_263 = tpu.vector_load %arg6[%parallel_loop3A_260, %parallel_loop3A_261, %parallel_loop3A_262] {strides = array<i32>} : memref<2x400x64xf32, #tpu.memory_space<vmem>>, vector<1x1x16xf32>,
        %parallel_loop3A_264 = vector.shape_cast %parallel_loop3A_263 : vector<1x1x16xf32> to vector<16xf32>
        %parallel_loop3A_265 = arith.constant 8.000000e+00 : f32
        %parallel_loop3A_266 = vector.broadcast %parallel_loop3A_265 : f32 to vector<16xf32>
        %parallel_loop3A_267 = arith.mulf %parallel_loop3A_264, %parallel_loop3A_266 : vector<16xf32>
        %parallel_loop3A_268 = arith.constant 0 : i32
        %parallel_loop3A_269 = arith.index_cast %parallel_loop3A_268 : i32 to index
        %parallel_loop3A_270 = arith.index_cast %parallel_loop3A_210 : i32 to index
        %parallel_loop3A_271 = arith.constant 48 : index
        %parallel_loop3A_272 = tpu.vector_load %arg6[%parallel_loop3A_269, %parallel_loop3A_270, %parallel_loop3A_271] {strides = array<i32>} : memref<2x400x64xf32, #tpu.memory_space<vmem>>, vector<1x1x16xf32>,
        %parallel_loop3A_273 = vector.shape_cast %parallel_loop3A_272 : vector<1x1x16xf32> to vector<16xf32>
        %parallel_loop3A_274 = vector.shape_cast %parallel_loop3A_267 : vector<16xf32> to vector<1x1x16xf32>
        tpu.vector_store %arg6[%parallel_loop3A_269, %parallel_loop3A_270, %parallel_loop3A_271], %parallel_loop3A_274 {strides = array<i32>} : memref<2x400x64xf32, #tpu.memory_space<vmem>>, vector<1x1x16xf32>,
      } {sc.loop_unroll_factor = 8 : i64, sc.parallel_access}
      %mul3A_125 = arith.constant 2 : i32
      %mul3A_126 = arith.muli %add3A_69, %mul3A_125 : i32
      %add3A_127 = arith.addi %mul3A_4, %mul3A_126 : i32
      %add3A_128 = arith.constant 0 : i32
      %add3A_129 = arith.addi %add3A_127, %add3A_128 : i32
      %run_scoped3A = arith.constant 0 : i32
      "tpu.region"() ({
        %run_scoped3A_210 = tpu.sem_alloc : memref<!tpu.dma_semaphore, #tpu.memory_space<semaphore_mem>>
        %dma_start3A_211 = arith.constant 0 : i32
        %dma_start3A_212 = arith.constant 0 : i32
        %dma_start3A_213 = tpu.memref_slice %arg6[%run_scoped3A, %dma_start3A_211, %dma_start3A_212] : memref<2x400x64xf32, #tpu.memory_space<vmem>> -> memref<1x200x64xf32, #tpu.memory_space<vmem>>
        %dma_start3A_214 = tpu.memref_squeeze %dma_start3A_213 : memref<1x200x64xf32, #tpu.memory_space<vmem>> -> memref<200x64xf32, #tpu.memory_space<vmem>>
        %dma_start3A_215 = arith.constant 0 : i32
        %dma_start3A_216 = arith.constant 0 : i32
        %dma_start3A_217 = tpu.memref_slice %arg4[%add3A_129, %dma_start3A_215, %dma_start3A_216] : memref<4096x200x64xf32, #tpu.memory_space<hbm>> -> memref<1x200x64xf32, #tpu.memory_space<hbm>>
        %dma_start3A_218 = tpu.memref_squeeze %dma_start3A_217 : memref<1x200x64xf32, #tpu.memory_space<hbm>> -> memref<200x64xf32, #tpu.memory_space<hbm>>
        %dma_start3A_219 = arith.constant 0 : i32
        %dma_start3A_220 = arith.constant 0 : i32
        %dma_start3A_221 = tpu.memref_slice %arg4[%add3A_129, %dma_start3A_219, %dma_start3A_220] : memref<4096x200x64xf32, #tpu.memory_space<hbm>> -> memref<1x200x64xf32, #tpu.memory_space<hbm>>
        %dma_start3A_222 = tpu.memref_squeeze %dma_start3A_221 : memref<1x200x64xf32, #tpu.memory_space<hbm>> -> memref<200x64xf32, #tpu.memory_space<hbm>>
        %dma_start3A_223 = arith.constant 0 : i32
        %dma_start3A_224 = arith.constant 0 : i32
        %dma_start3A_225 = tpu.memref_slice %arg6[%run_scoped3A, %dma_start3A_223, %dma_start3A_224] : memref<2x400x64xf32, #tpu.memory_space<vmem>> -> memref<1x200x64xf32, #tpu.memory_space<vmem>>
        %dma_start3A_226 = tpu.memref_squeeze %dma_start3A_225 : memref<1x200x64xf32, #tpu.memory_space<vmem>> -> memref<200x64xf32, #tpu.memory_space<vmem>>
        tpu.enqueue_dma source(%dma_start3A_226 : memref<200x64xf32, #tpu.memory_space<vmem>>) target(%dma_start3A_222 : memref<200x64xf32, #tpu.memory_space<hbm>>) target_semaphore(%run_scoped3A_210 : memref<!tpu.dma_semaphore, #tpu.memory_space<semaphore_mem>>)
        %dma_wait3A_227 = arith.constant 0 : i32
        %dma_wait3A_228 = arith.constant 0 : i32
        %dma_wait3A_229 = tpu.memref_slice %arg6[%run_scoped3A, %dma_wait3A_227, %dma_wait3A_228] : memref<2x400x64xf32, #tpu.memory_space<vmem>> -> memref<1x200x64xf32, #tpu.memory_space<vmem>>
        %dma_wait3A_230 = tpu.memref_squeeze %dma_wait3A_229 : memref<1x200x64xf32, #tpu.memory_space<vmem>> -> memref<200x64xf32, #tpu.memory_space<vmem>>
        %dma_wait3A_231 = arith.constant 0 : i32
        %dma_wait3A_232 = arith.constant 0 : i32
        %dma_wait3A_233 = tpu.memref_slice %arg4[%add3A_129, %dma_wait3A_231, %dma_wait3A_232] : memref<4096x200x64xf32, #tpu.memory_space<hbm>> -> memref<1x200x64xf32, #tpu.memory_space<hbm>>
        %dma_wait3A_234 = tpu.memref_squeeze %dma_wait3A_233 : memref<1x200x64xf32, #tpu.memory_space<hbm>> -> memref<200x64xf32, #tpu.memory_space<hbm>>
        %dma_wait3A_235 = arith.constant 0 : i32
        %dma_wait3A_236 = arith.constant 0 : i32
        %dma_wait3A_237 = tpu.memref_slice %arg4[%add3A_129, %dma_wait3A_235, %dma_wait3A_236] : memref<4096x200x64xf32, #tpu.memory_space<hbm>> -> memref<1x200x64xf32, #tpu.memory_space<hbm>>
        %dma_wait3A_238 = tpu.memref_squeeze %dma_wait3A_237 : memref<1x200x64xf32, #tpu.memory_space<hbm>> -> memref<200x64xf32, #tpu.memory_space<hbm>>
        %dma_wait3A_239 = arith.constant 0 : i32
        %dma_wait3A_240 = arith.constant 0 : i32
        %dma_wait3A_241 = tpu.memref_slice %arg6[%run_scoped3A, %dma_wait3A_239, %dma_wait3A_240] : memref<2x400x64xf32, #tpu.memory_space<vmem>> -> memref<1x200x64xf32, #tpu.memory_space<vmem>>
        %dma_wait3A_242 = tpu.memref_squeeze %dma_wait3A_241 : memref<1x200x64xf32, #tpu.memory_space<vmem>> -> memref<200x64xf32, #tpu.memory_space<vmem>>
        tpu.wait_dma2 semaphore(%run_scoped3A_210 : memref<!tpu.dma_semaphore, #tpu.memory_space<semaphore_mem>>) src(%dma_wait3A_242 : memref<200x64xf32, #tpu.memory_space<vmem>>) dst(%dma_wait3A_238 : memref<200x64xf32, #tpu.memory_space<hbm>>)
        tpu.yield
      }) : () -> ()
      %mul3A_130 = arith.constant 2 : i32
      %mul3A_131 = arith.muli %add3A_69, %mul3A_130 : i32
      %add3A_132 = arith.addi %mul3A_4, %mul3A_131 : i32
      %add3A_133 = arith.constant 1 : i32
      %add3A_134 = arith.addi %add3A_132, %add3A_133 : i32
      %run_scoped3A_135 = arith.constant 0 : i32
      "tpu.region"() ({
        %run_scoped3A_210 = tpu.sem_alloc : memref<!tpu.dma_semaphore, #tpu.memory_space<semaphore_mem>>
        %dma_start3A_211 = arith.constant 200 : i32
        %dma_start3A_212 = arith.constant 0 : i32
        %dma_start3A_213 = tpu.memref_slice %arg6[%run_scoped3A_135, %dma_start3A_211, %dma_start3A_212] : memref<2x400x64xf32, #tpu.memory_space<vmem>> -> memref<1x200x64xf32, #tpu.memory_space<vmem>>
        %dma_start3A_214 = tpu.memref_squeeze %dma_start3A_213 : memref<1x200x64xf32, #tpu.memory_space<vmem>> -> memref<200x64xf32, #tpu.memory_space<vmem>>
        %dma_start3A_215 = arith.constant 0 : i32
        %dma_start3A_216 = arith.constant 0 : i32
        %dma_start3A_217 = tpu.memref_slice %arg4[%add3A_134, %dma_start3A_215, %dma_start3A_216] : memref<4096x200x64xf32, #tpu.memory_space<hbm>> -> memref<1x200x64xf32, #tpu.memory_space<hbm>>
        %dma_start3A_218 = tpu.memref_squeeze %dma_start3A_217 : memref<1x200x64xf32, #tpu.memory_space<hbm>> -> memref<200x64xf32, #tpu.memory_space<hbm>>
        %dma_start3A_219 = arith.constant 0 : i32
        %dma_start3A_220 = arith.constant 0 : i32
        %dma_start3A_221 = tpu.memref_slice %arg4[%add3A_134, %dma_start3A_219, %dma_start3A_220] : memref<4096x200x64xf32, #tpu.memory_space<hbm>> -> memref<1x200x64xf32, #tpu.memory_space<hbm>>
        %dma_start3A_222 = tpu.memref_squeeze %dma_start3A_221 : memref<1x200x64xf32, #tpu.memory_space<hbm>> -> memref<200x64xf32, #tpu.memory_space<hbm>>
        %dma_start3A_223 = arith.constant 200 : i32
        %dma_start3A_224 = arith.constant 0 : i32
        %dma_start3A_225 = tpu.memref_slice %arg6[%run_scoped3A_135, %dma_start3A_223, %dma_start3A_224] : memref<2x400x64xf32, #tpu.memory_space<vmem>> -> memref<1x200x64xf32, #tpu.memory_space<vmem>>
        %dma_start3A_226 = tpu.memref_squeeze %dma_start3A_225 : memref<1x200x64xf32, #tpu.memory_space<vmem>> -> memref<200x64xf32, #tpu.memory_space<vmem>>
        tpu.enqueue_dma source(%dma_start3A_226 : memref<200x64xf32, #tpu.memory_space<vmem>>) target(%dma_start3A_222 : memref<200x64xf32, #tpu.memory_space<hbm>>) target_semaphore(%run_scoped3A_210 : memref<!tpu.dma_semaphore, #tpu.memory_space<semaphore_mem>>)
        %dma_wait3A_227 = arith.constant 200 : i32
        %dma_wait3A_228 = arith.constant 0 : i32
        %dma_wait3A_229 = tpu.memref_slice %arg6[%run_scoped3A_135, %dma_wait3A_227, %dma_wait3A_228] : memref<2x400x64xf32, #tpu.memory_space<vmem>> -> memref<1x200x64xf32, #tpu.memory_space<vmem>>
        %dma_wait3A_230 = tpu.memref_squeeze %dma_wait3A_229 : memref<1x200x64xf32, #tpu.memory_space<vmem>> -> memref<200x64xf32, #tpu.memory_space<vmem>>
        %dma_wait3A_231 = arith.constant 0 : i32
        %dma_wait3A_232 = arith.constant 0 : i32
        %dma_wait3A_233 = tpu.memref_slice %arg4[%add3A_134, %dma_wait3A_231, %dma_wait3A_232] : memref<4096x200x64xf32, #tpu.memory_space<hbm>> -> memref<1x200x64xf32, #tpu.memory_space<hbm>>
        %dma_wait3A_234 = tpu.memref_squeeze %dma_wait3A_233 : memref<1x200x64xf32, #tpu.memory_space<hbm>> -> memref<200x64xf32, #tpu.memory_space<hbm>>
        %dma_wait3A_235 = arith.constant 0 : i32
        %dma_wait3A_236 = arith.constant 0 : i32
        %dma_wait3A_237 = tpu.memref_slice %arg4[%add3A_134, %dma_wait3A_235, %dma_wait3A_236] : memref<4096x200x64xf32, #tpu.memory_space<hbm>> -> memref<1x200x64xf32, #tpu.memory_space<hbm>>
        %dma_wait3A_238 = tpu.memref_squeeze %dma_wait3A_237 : memref<1x200x64xf32, #tpu.memory_space<hbm>> -> memref<200x64xf32, #tpu.memory_space<hbm>>
        %dma_wait3A_239 = arith.constant 200 : i32
        %dma_wait3A_240 = arith.constant 0 : i32
        %dma_wait3A_241 = tpu.memref_slice %arg6[%run_scoped3A_135, %dma_wait3A_239, %dma_wait3A_240] : memref<2x400x64xf32, #tpu.memory_space<vmem>> -> memref<1x200x64xf32, #tpu.memory_space<vmem>>
        %dma_wait3A_242 = tpu.memref_squeeze %dma_wait3A_241 : memref<1x200x64xf32, #tpu.memory_space<vmem>> -> memref<200x64xf32, #tpu.memory_space<vmem>>
        tpu.wait_dma2 semaphore(%run_scoped3A_210 : memref<!tpu.dma_semaphore, #tpu.memory_space<semaphore_mem>>) src(%dma_wait3A_242 : memref<200x64xf32, #tpu.memory_space<vmem>>) dst(%dma_wait3A_238 : memref<200x64xf32, #tpu.memory_space<hbm>>)
        tpu.yield
      }) : () -> ()
      %add3A_136 = arith.constant 1 : i32
      %add3A_137 = arith.addi %add3A_67, %add3A_136 : i32
      %add3A_138 = arith.constant 1 : i32
      %add3A_139 = arith.addi %add3A_137, %add3A_138 : i32
      %lt3A_140 = arith.constant 64 : i32
      %lt3A_141 = arith.cmpi slt, %add3A_139, %lt3A_140 : i32
      %convert_element_type3A_142 = arith.extui %lt3A_141 : i1 to i32
      %cond3A_143 = arith.constant 0 : i32
      %cond3A_144 = arith.cmpi ne, %convert_element_type3A_142, %cond3A_143 : i32
      scf.if %cond3A_144 {
        %add3A_210 = arith.constant 1 : i32
        %add3A_211 = arith.addi %add3A_137, %add3A_210 : i32
        %mul3A_212 = arith.constant 400 : i32
        %mul3A_213 = arith.muli %add3A_211, %mul3A_212 : i32
        %add3A_214 = arith.constant 0 : i32
        %add3A_215 = arith.addi %mul3A_213, %add3A_214 : i32
        %multiple_of3A_216 = tpu.assume_multiple %add3A_215, 80 : i32
        %dma_start3A_217 = arith.constant 0 : i32
        %dma_start3A_218 = arith.constant 0 : i32
        %dma_start3A_219 = arith.constant 0 : i32
        %dma_start3A_220 = tpu.memref_slice %arg6[%dma_start3A_217, %dma_start3A_218, %dma_start3A_219] : memref<2x400x64xf32, #tpu.memory_space<vmem>> -> memref<1x80x64xf32, #tpu.memory_space<vmem>>
        %dma_start3A_221 = tpu.memref_squeeze %dma_start3A_220 : memref<1x80x64xf32, #tpu.memory_space<vmem>> -> memref<80x64xf32, #tpu.memory_space<vmem>>
        %dma_start3A_222 = tpu.memref_slice %arg5[%multiple_of3A_216] : memref<25600xi32, #tpu.memory_space<vmem>> -> memref<80xi32, #tpu.memory_space<vmem>>
        %dma_start3A_223 = arith.constant 0 : i32
        %dma_start3A_224 = arith.constant 0 : i32
        %dma_start3A_225 = tpu.memref_slice %arg3[%dma_start3A_223, %dma_start3A_224] : memref<1000000x64xf32, #tpu.memory_space<hbm>> -> memref<1000000x64xf32, #tpu.memory_space<hbm>>
        tpu.enqueue_indirect_dma source(%dma_start3A_225 : memref<1000000x64xf32, #tpu.memory_space<hbm>>) target(%dma_start3A_221 : memref<80x64xf32, #tpu.memory_space<vmem>>) offsets(%dma_start3A_222 : memref<80xi32, #tpu.memory_space<vmem>>) semaphore(%arg7 : memref<!tpu.dma_semaphore, #tpu.memory_space<semaphore_mem>>)
        %mul3A_226 = arith.constant 400 : i32
        %mul3A_227 = arith.muli %add3A_211, %mul3A_226 : i32
        %add3A_228 = arith.constant 80 : i32
        %add3A_229 = arith.addi %mul3A_227, %add3A_228 : i32
        %multiple_of3A_230 = tpu.assume_multiple %add3A_229, 80 : i32
        %dma_start3A_231 = arith.constant 0 : i32
        %dma_start3A_232 = arith.constant 80 : i32
        %dma_start3A_233 = arith.constant 0 : i32
        %dma_start3A_234 = tpu.memref_slice %arg6[%dma_start3A_231, %dma_start3A_232, %dma_start3A_233] : memref<2x400x64xf32, #tpu.memory_space<vmem>> -> memref<1x80x64xf32, #tpu.memory_space<vmem>>
        %dma_start3A_235 = tpu.memref_squeeze %dma_start3A_234 : memref<1x80x64xf32, #tpu.memory_space<vmem>> -> memref<80x64xf32, #tpu.memory_space<vmem>>
        %dma_start3A_236 = tpu.memref_slice %arg5[%multiple_of3A_230] : memref<25600xi32, #tpu.memory_space<vmem>> -> memref<80xi32, #tpu.memory_space<vmem>>
        %dma_start3A_237 = arith.constant 0 : i32
        %dma_start3A_238 = arith.constant 0 : i32
        %dma_start3A_239 = tpu.memref_slice %arg3[%dma_start3A_237, %dma_start3A_238] : memref<1000000x64xf32, #tpu.memory_space<hbm>> -> memref<1000000x64xf32, #tpu.memory_space<hbm>>
        tpu.enqueue_indirect_dma source(%dma_start3A_239 : memref<1000000x64xf32, #tpu.memory_space<hbm>>) target(%dma_start3A_235 : memref<80x64xf32, #tpu.memory_space<vmem>>) offsets(%dma_start3A_236 : memref<80xi32, #tpu.memory_space<vmem>>) semaphore(%arg7 : memref<!tpu.dma_semaphore, #tpu.memory_space<semaphore_mem>>)
        %mul3A_240 = arith.constant 400 : i32
        %mul3A_241 = arith.muli %add3A_211, %mul3A_240 : i32
        %add3A_242 = arith.constant 160 : i32
        %add3A_243 = arith.addi %mul3A_241, %add3A_242 : i32
        %multiple_of3A_244 = tpu.assume_multiple %add3A_243, 80 : i32
        %dma_start3A_245 = arith.constant 0 : i32
        %dma_start3A_246 = arith.constant 160 : i32
        %dma_start3A_247 = arith.constant 0 : i32
        %dma_start3A_248 = tpu.memref_slice %arg6[%dma_start3A_245, %dma_start3A_246, %dma_start3A_247] : memref<2x400x64xf32, #tpu.memory_space<vmem>> -> memref<1x80x64xf32, #tpu.memory_space<vmem>>
        %dma_start3A_249 = tpu.memref_squeeze %dma_start3A_248 : memref<1x80x64xf32, #tpu.memory_space<vmem>> -> memref<80x64xf32, #tpu.memory_space<vmem>>
        %dma_start3A_250 = tpu.memref_slice %arg5[%multiple_of3A_244] : memref<25600xi32, #tpu.memory_space<vmem>> -> memref<80xi32, #tpu.memory_space<vmem>>
        %dma_start3A_251 = arith.constant 0 : i32
        %dma_start3A_252 = arith.constant 0 : i32
        %dma_start3A_253 = tpu.memref_slice %arg3[%dma_start3A_251, %dma_start3A_252] : memref<1000000x64xf32, #tpu.memory_space<hbm>> -> memref<1000000x64xf32, #tpu.memory_space<hbm>>
        tpu.enqueue_indirect_dma source(%dma_start3A_253 : memref<1000000x64xf32, #tpu.memory_space<hbm>>) target(%dma_start3A_249 : memref<80x64xf32, #tpu.memory_space<vmem>>) offsets(%dma_start3A_250 : memref<80xi32, #tpu.memory_space<vmem>>) semaphore(%arg7 : memref<!tpu.dma_semaphore, #tpu.memory_space<semaphore_mem>>)
        %mul3A_254 = arith.constant 400 : i32
        %mul3A_255 = arith.muli %add3A_211, %mul3A_254 : i32
        %add3A_256 = arith.constant 240 : i32
        %add3A_257 = arith.addi %mul3A_255, %add3A_256 : i32
        %multiple_of3A_258 = tpu.assume_multiple %add3A_257, 80 : i32
        %dma_start3A_259 = arith.constant 0 : i32
        %dma_start3A_260 = arith.constant 240 : i32
        %dma_start3A_261 = arith.constant 0 : i32
        %dma_start3A_262 = tpu.memref_slice %arg6[%dma_start3A_259, %dma_start3A_260, %dma_start3A_261] : memref<2x400x64xf32, #tpu.memory_space<vmem>> -> memref<1x80x64xf32, #tpu.memory_space<vmem>>
        %dma_start3A_263 = tpu.memref_squeeze %dma_start3A_262 : memref<1x80x64xf32, #tpu.memory_space<vmem>> -> memref<80x64xf32, #tpu.memory_space<vmem>>
        %dma_start3A_264 = tpu.memref_slice %arg5[%multiple_of3A_258] : memref<25600xi32, #tpu.memory_space<vmem>> -> memref<80xi32, #tpu.memory_space<vmem>>
        %dma_start3A_265 = arith.constant 0 : i32
        %dma_start3A_266 = arith.constant 0 : i32
        %dma_start3A_267 = tpu.memref_slice %arg3[%dma_start3A_265, %dma_start3A_266] : memref<1000000x64xf32, #tpu.memory_space<hbm>> -> memref<1000000x64xf32, #tpu.memory_space<hbm>>
        tpu.enqueue_indirect_dma source(%dma_start3A_267 : memref<1000000x64xf32, #tpu.memory_space<hbm>>) target(%dma_start3A_263 : memref<80x64xf32, #tpu.memory_space<vmem>>) offsets(%dma_start3A_264 : memref<80xi32, #tpu.memory_space<vmem>>) semaphore(%arg7 : memref<!tpu.dma_semaphore, #tpu.memory_space<semaphore_mem>>)
        %mul3A_268 = arith.constant 400 : i32
        %mul3A_269 = arith.muli %add3A_211, %mul3A_268 : i32
        %add3A_270 = arith.constant 320 : i32
        %add3A_271 = arith.addi %mul3A_269, %add3A_270 : i32
        %multiple_of3A_272 = tpu.assume_multiple %add3A_271, 80 : i32
        %dma_start3A_273 = arith.constant 0 : i32
        %dma_start3A_274 = arith.constant 320 : i32
        %dma_start3A_275 = arith.constant 0 : i32
        %dma_start3A_276 = tpu.memref_slice %arg6[%dma_start3A_273, %dma_start3A_274, %dma_start3A_275] : memref<2x400x64xf32, #tpu.memory_space<vmem>> -> memref<1x80x64xf32, #tpu.memory_space<vmem>>
        %dma_start3A_277 = tpu.memref_squeeze %dma_start3A_276 : memref<1x80x64xf32, #tpu.memory_space<vmem>> -> memref<80x64xf32, #tpu.memory_space<vmem>>
        %dma_start3A_278 = tpu.memref_slice %arg5[%multiple_of3A_272] : memref<25600xi32, #tpu.memory_space<vmem>> -> memref<80xi32, #tpu.memory_space<vmem>>
        %dma_start3A_279 = arith.constant 0 : i32
        %dma_start3A_280 = arith.constant 0 : i32
        %dma_start3A_281 = tpu.memref_slice %arg3[%dma_start3A_279, %dma_start3A_280] : memref<1000000x64xf32, #tpu.memory_space<hbm>> -> memref<1000000x64xf32, #tpu.memory_space<hbm>>
        tpu.enqueue_indirect_dma source(%dma_start3A_281 : memref<1000000x64xf32, #tpu.memory_space<hbm>>) target(%dma_start3A_277 : memref<80x64xf32, #tpu.memory_space<vmem>>) offsets(%dma_start3A_278 : memref<80xi32, #tpu.memory_space<vmem>>) semaphore(%arg7 : memref<!tpu.dma_semaphore, #tpu.memory_space<semaphore_mem>>)
      } else {
      }
      %dma_wait3A_145 = arith.constant 1 : i32
      %dma_wait3A_146 = arith.constant 0 : i32
      %dma_wait3A_147 = arith.constant 0 : i32
      %dma_wait3A_148 = tpu.memref_slice %arg6[%dma_wait3A_145, %dma_wait3A_146, %dma_wait3A_147] : memref<2x400x64xf32, #tpu.memory_space<vmem>> -> memref<1x80x64xf32, #tpu.memory_space<vmem>>
      %dma_wait3A_149 = tpu.memref_squeeze %dma_wait3A_148 : memref<1x80x64xf32, #tpu.memory_space<vmem>> -> memref<80x64xf32, #tpu.memory_space<vmem>>
      %dma_wait3A_150 = arith.constant 0 : i32
      %dma_wait3A_151 = tpu.memref_slice %arg5[%dma_wait3A_150] : memref<25600xi32, #tpu.memory_space<vmem>> -> memref<80xi32, #tpu.memory_space<vmem>>
      %dma_wait3A_152 = arith.constant 0 : i32
      %dma_wait3A_153 = arith.constant 0 : i32
      %dma_wait3A_154 = tpu.memref_slice %arg3[%dma_wait3A_152, %dma_wait3A_153] : memref<1000000x64xf32, #tpu.memory_space<hbm>> -> memref<1000000x64xf32, #tpu.memory_space<hbm>>
      tpu.wait_indirect_dma semaphore(%arg8 : memref<!tpu.dma_semaphore, #tpu.memory_space<semaphore_mem>>) src(%dma_wait3A_154 : memref<1000000x64xf32, #tpu.memory_space<hbm>>) dst(%dma_wait3A_149 : memref<80x64xf32, #tpu.memory_space<vmem>>)
      %dma_wait3A_155 = arith.constant 1 : i32
      %dma_wait3A_156 = arith.constant 80 : i32
      %dma_wait3A_157 = arith.constant 0 : i32
      %dma_wait3A_158 = tpu.memref_slice %arg6[%dma_wait3A_155, %dma_wait3A_156, %dma_wait3A_157] : memref<2x400x64xf32, #tpu.memory_space<vmem>> -> memref<1x80x64xf32, #tpu.memory_space<vmem>>
      %dma_wait3A_159 = tpu.memref_squeeze %dma_wait3A_158 : memref<1x80x64xf32, #tpu.memory_space<vmem>> -> memref<80x64xf32, #tpu.memory_space<vmem>>
      %dma_wait3A_160 = arith.constant 80 : i32
      %dma_wait3A_161 = tpu.memref_slice %arg5[%dma_wait3A_160] : memref<25600xi32, #tpu.memory_space<vmem>> -> memref<80xi32, #tpu.memory_space<vmem>>
      %dma_wait3A_162 = arith.constant 0 : i32
      %dma_wait3A_163 = arith.constant 0 : i32
      %dma_wait3A_164 = tpu.memref_slice %arg3[%dma_wait3A_162, %dma_wait3A_163] : memref<1000000x64xf32, #tpu.memory_space<hbm>> -> memref<1000000x64xf32, #tpu.memory_space<hbm>>
      tpu.wait_indirect_dma semaphore(%arg8 : memref<!tpu.dma_semaphore, #tpu.memory_space<semaphore_mem>>) src(%dma_wait3A_164 : memref<1000000x64xf32, #tpu.memory_space<hbm>>) dst(%dma_wait3A_159 : memref<80x64xf32, #tpu.memory_space<vmem>>)
      %dma_wait3A_165 = arith.constant 1 : i32
      %dma_wait3A_166 = arith.constant 160 : i32
      %dma_wait3A_167 = arith.constant 0 : i32
      %dma_wait3A_168 = tpu.memref_slice %arg6[%dma_wait3A_165, %dma_wait3A_166, %dma_wait3A_167] : memref<2x400x64xf32, #tpu.memory_space<vmem>> -> memref<1x80x64xf32, #tpu.memory_space<vmem>>
      %dma_wait3A_169 = tpu.memref_squeeze %dma_wait3A_168 : memref<1x80x64xf32, #tpu.memory_space<vmem>> -> memref<80x64xf32, #tpu.memory_space<vmem>>
      %dma_wait3A_170 = arith.constant 160 : i32
      %dma_wait3A_171 = tpu.memref_slice %arg5[%dma_wait3A_170] : memref<25600xi32, #tpu.memory_space<vmem>> -> memref<80xi32, #tpu.memory_space<vmem>>
      %dma_wait3A_172 = arith.constant 0 : i32
      %dma_wait3A_173 = arith.constant 0 : i32
      %dma_wait3A_174 = tpu.memref_slice %arg3[%dma_wait3A_172, %dma_wait3A_173] : memref<1000000x64xf32, #tpu.memory_space<hbm>> -> memref<1000000x64xf32, #tpu.memory_space<hbm>>
      tpu.wait_indirect_dma semaphore(%arg8 : memref<!tpu.dma_semaphore, #tpu.memory_space<semaphore_mem>>) src(%dma_wait3A_174 : memref<1000000x64xf32, #tpu.memory_space<hbm>>) dst(%dma_wait3A_169 : memref<80x64xf32, #tpu.memory_space<vmem>>)
      %dma_wait3A_175 = arith.constant 1 : i32
      %dma_wait3A_176 = arith.constant 240 : i32
      %dma_wait3A_177 = arith.constant 0 : i32
      %dma_wait3A_178 = tpu.memref_slice %arg6[%dma_wait3A_175, %dma_wait3A_176, %dma_wait3A_177] : memref<2x400x64xf32, #tpu.memory_space<vmem>> -> memref<1x80x64xf32, #tpu.memory_space<vmem>>
      %dma_wait3A_179 = tpu.memref_squeeze %dma_wait3A_178 : memref<1x80x64xf32, #tpu.memory_space<vmem>> -> memref<80x64xf32, #tpu.memory_space<vmem>>
      %dma_wait3A_180 = arith.constant 240 : i32
      %dma_wait3A_181 = tpu.memref_slice %arg5[%dma_wait3A_180] : memref<25600xi32, #tpu.memory_space<vmem>> -> memref<80xi32, #tpu.memory_space<vmem>>
      %dma_wait3A_182 = arith.constant 0 : i32
      %dma_wait3A_183 = arith.constant 0 : i32
      %dma_wait3A_184 = tpu.memref_slice %arg3[%dma_wait3A_182, %dma_wait3A_183] : memref<1000000x64xf32, #tpu.memory_space<hbm>> -> memref<1000000x64xf32, #tpu.memory_space<hbm>>
      tpu.wait_indirect_dma semaphore(%arg8 : memref<!tpu.dma_semaphore, #tpu.memory_space<semaphore_mem>>) src(%dma_wait3A_184 : memref<1000000x64xf32, #tpu.memory_space<hbm>>) dst(%dma_wait3A_179 : memref<80x64xf32, #tpu.memory_space<vmem>>)
      %dma_wait3A_185 = arith.constant 1 : i32
      %dma_wait3A_186 = arith.constant 320 : i32
      %dma_wait3A_187 = arith.constant 0 : i32
      %dma_wait3A_188 = tpu.memref_slice %arg6[%dma_wait3A_185, %dma_wait3A_186, %dma_wait3A_187] : memref<2x400x64xf32, #tpu.memory_space<vmem>> -> memref<1x80x64xf32, #tpu.memory_space<vmem>>
      %dma_wait3A_189 = tpu.memref_squeeze %dma_wait3A_188 : memref<1x80x64xf32, #tpu.memory_space<vmem>> -> memref<80x64xf32, #tpu.memory_space<vmem>>
      %dma_wait3A_190 = arith.constant 320 : i32
      %dma_wait3A_191 = tpu.memref_slice %arg5[%dma_wait3A_190] : memref<25600xi32, #tpu.memory_space<vmem>> -> memref<80xi32, #tpu.memory_space<vmem>>
      %dma_wait3A_192 = arith.constant 0 : i32
      %dma_wait3A_193 = arith.constant 0 : i32
      %dma_wait3A_194 = tpu.memref_slice %arg3[%dma_wait3A_192, %dma_wait3A_193] : memref<1000000x64xf32, #tpu.memory_space<hbm>> -> memref<1000000x64xf32, #tpu.memory_space<hbm>>
      tpu.wait_indirect_dma semaphore(%arg8 : memref<!tpu.dma_semaphore, #tpu.memory_space<semaphore_mem>>) src(%dma_wait3A_194 : memref<1000000x64xf32, #tpu.memory_space<hbm>>) dst(%dma_wait3A_189 : memref<80x64xf32, #tpu.memory_space<vmem>>)
      %parallel_loop3A_195 = arith.constant 0 : i32
      %parallel_loop3A_196 = arith.constant 400 : i32
      %parallel_loop3A_197 = arith.constant 1 : i32
      scf.for %parallel_loop3A_210 = %parallel_loop3A_195 to %parallel_loop3A_196 step %parallel_loop3A_197  : i32 {
        %parallel_loop3A_211 = arith.constant 1 : i32
        %parallel_loop3A_212 = arith.index_cast %parallel_loop3A_211 : i32 to index
        %parallel_loop3A_213 = arith.index_cast %parallel_loop3A_210 : i32 to index
        %parallel_loop3A_214 = arith.constant 0 : index
        %parallel_loop3A_215 = tpu.vector_load %arg6[%parallel_loop3A_212, %parallel_loop3A_213, %parallel_loop3A_214] {strides = array<i32>} : memref<2x400x64xf32, #tpu.memory_space<vmem>>, vector<1x1x16xf32>,
        %parallel_loop3A_216 = vector.shape_cast %parallel_loop3A_215 : vector<1x1x16xf32> to vector<16xf32>
        %parallel_loop3A_217 = arith.constant 8.000000e+00 : f32
        %parallel_loop3A_218 = vector.broadcast %parallel_loop3A_217 : f32 to vector<16xf32>
        %parallel_loop3A_219 = arith.mulf %parallel_loop3A_216, %parallel_loop3A_218 : vector<16xf32>
        %parallel_loop3A_220 = arith.constant 1 : i32
        %parallel_loop3A_221 = arith.index_cast %parallel_loop3A_220 : i32 to index
        %parallel_loop3A_222 = arith.index_cast %parallel_loop3A_210 : i32 to index
        %parallel_loop3A_223 = arith.constant 0 : index
        %parallel_loop3A_224 = tpu.vector_load %arg6[%parallel_loop3A_221, %parallel_loop3A_222, %parallel_loop3A_223] {strides = array<i32>} : memref<2x400x64xf32, #tpu.memory_space<vmem>>, vector<1x1x16xf32>,
        %parallel_loop3A_225 = vector.shape_cast %parallel_loop3A_224 : vector<1x1x16xf32> to vector<16xf32>
        %parallel_loop3A_226 = vector.shape_cast %parallel_loop3A_219 : vector<16xf32> to vector<1x1x16xf32>
        tpu.vector_store %arg6[%parallel_loop3A_221, %parallel_loop3A_222, %parallel_loop3A_223], %parallel_loop3A_226 {strides = array<i32>} : memref<2x400x64xf32, #tpu.memory_space<vmem>>, vector<1x1x16xf32>,
        %parallel_loop3A_227 = arith.constant 1 : i32
        %parallel_loop3A_228 = arith.index_cast %parallel_loop3A_227 : i32 to index
        %parallel_loop3A_229 = arith.index_cast %parallel_loop3A_210 : i32 to index
        %parallel_loop3A_230 = arith.constant 16 : index
        %parallel_loop3A_231 = tpu.vector_load %arg6[%parallel_loop3A_228, %parallel_loop3A_229, %parallel_loop3A_230] {strides = array<i32>} : memref<2x400x64xf32, #tpu.memory_space<vmem>>, vector<1x1x16xf32>,
        %parallel_loop3A_232 = vector.shape_cast %parallel_loop3A_231 : vector<1x1x16xf32> to vector<16xf32>
        %parallel_loop3A_233 = arith.constant 8.000000e+00 : f32
        %parallel_loop3A_234 = vector.broadcast %parallel_loop3A_233 : f32 to vector<16xf32>
        %parallel_loop3A_235 = arith.mulf %parallel_loop3A_232, %parallel_loop3A_234 : vector<16xf32>
        %parallel_loop3A_236 = arith.constant 1 : i32
        %parallel_loop3A_237 = arith.index_cast %parallel_loop3A_236 : i32 to index
        %parallel_loop3A_238 = arith.index_cast %parallel_loop3A_210 : i32 to index
        %parallel_loop3A_239 = arith.constant 16 : index
        %parallel_loop3A_240 = tpu.vector_load %arg6[%parallel_loop3A_237, %parallel_loop3A_238, %parallel_loop3A_239] {strides = array<i32>} : memref<2x400x64xf32, #tpu.memory_space<vmem>>, vector<1x1x16xf32>,
        %parallel_loop3A_241 = vector.shape_cast %parallel_loop3A_240 : vector<1x1x16xf32> to vector<16xf32>
        %parallel_loop3A_242 = vector.shape_cast %parallel_loop3A_235 : vector<16xf32> to vector<1x1x16xf32>
        tpu.vector_store %arg6[%parallel_loop3A_237, %parallel_loop3A_238, %parallel_loop3A_239], %parallel_loop3A_242 {strides = array<i32>} : memref<2x400x64xf32, #tpu.memory_space<vmem>>, vector<1x1x16xf32>,
        %parallel_loop3A_243 = arith.constant 1 : i32
        %parallel_loop3A_244 = arith.index_cast %parallel_loop3A_243 : i32 to index
        %parallel_loop3A_245 = arith.index_cast %parallel_loop3A_210 : i32 to index
        %parallel_loop3A_246 = arith.constant 32 : index
        %parallel_loop3A_247 = tpu.vector_load %arg6[%parallel_loop3A_244, %parallel_loop3A_245, %parallel_loop3A_246] {strides = array<i32>} : memref<2x400x64xf32, #tpu.memory_space<vmem>>, vector<1x1x16xf32>,
        %parallel_loop3A_248 = vector.shape_cast %parallel_loop3A_247 : vector<1x1x16xf32> to vector<16xf32>
        %parallel_loop3A_249 = arith.constant 8.000000e+00 : f32
        %parallel_loop3A_250 = vector.broadcast %parallel_loop3A_249 : f32 to vector<16xf32>
        %parallel_loop3A_251 = arith.mulf %parallel_loop3A_248, %parallel_loop3A_250 : vector<16xf32>
        %parallel_loop3A_252 = arith.constant 1 : i32
        %parallel_loop3A_253 = arith.index_cast %parallel_loop3A_252 : i32 to index
        %parallel_loop3A_254 = arith.index_cast %parallel_loop3A_210 : i32 to index
        %parallel_loop3A_255 = arith.constant 32 : index
        %parallel_loop3A_256 = tpu.vector_load %arg6[%parallel_loop3A_253, %parallel_loop3A_254, %parallel_loop3A_255] {strides = array<i32>} : memref<2x400x64xf32, #tpu.memory_space<vmem>>, vector<1x1x16xf32>,
        %parallel_loop3A_257 = vector.shape_cast %parallel_loop3A_256 : vector<1x1x16xf32> to vector<16xf32>
        %parallel_loop3A_258 = vector.shape_cast %parallel_loop3A_251 : vector<16xf32> to vector<1x1x16xf32>
        tpu.vector_store %arg6[%parallel_loop3A_253, %parallel_loop3A_254, %parallel_loop3A_255], %parallel_loop3A_258 {strides = array<i32>} : memref<2x400x64xf32, #tpu.memory_space<vmem>>, vector<1x1x16xf32>,
        %parallel_loop3A_259 = arith.constant 1 : i32
        %parallel_loop3A_260 = arith.index_cast %parallel_loop3A_259 : i32 to index
        %parallel_loop3A_261 = arith.index_cast %parallel_loop3A_210 : i32 to index
        %parallel_loop3A_262 = arith.constant 48 : index
        %parallel_loop3A_263 = tpu.vector_load %arg6[%parallel_loop3A_260, %parallel_loop3A_261, %parallel_loop3A_262] {strides = array<i32>} : memref<2x400x64xf32, #tpu.memory_space<vmem>>, vector<1x1x16xf32>,
        %parallel_loop3A_264 = vector.shape_cast %parallel_loop3A_263 : vector<1x1x16xf32> to vector<16xf32>
        %parallel_loop3A_265 = arith.constant 8.000000e+00 : f32
        %parallel_loop3A_266 = vector.broadcast %parallel_loop3A_265 : f32 to vector<16xf32>
        %parallel_loop3A_267 = arith.mulf %parallel_loop3A_264, %parallel_loop3A_266 : vector<16xf32>
        %parallel_loop3A_268 = arith.constant 1 : i32
        %parallel_loop3A_269 = arith.index_cast %parallel_loop3A_268 : i32 to index
        %parallel_loop3A_270 = arith.index_cast %parallel_loop3A_210 : i32 to index
        %parallel_loop3A_271 = arith.constant 48 : index
        %parallel_loop3A_272 = tpu.vector_load %arg6[%parallel_loop3A_269, %parallel_loop3A_270, %parallel_loop3A_271] {strides = array<i32>} : memref<2x400x64xf32, #tpu.memory_space<vmem>>, vector<1x1x16xf32>,
        %parallel_loop3A_273 = vector.shape_cast %parallel_loop3A_272 : vector<1x1x16xf32> to vector<16xf32>
        %parallel_loop3A_274 = vector.shape_cast %parallel_loop3A_267 : vector<16xf32> to vector<1x1x16xf32>
        tpu.vector_store %arg6[%parallel_loop3A_269, %parallel_loop3A_270, %parallel_loop3A_271], %parallel_loop3A_274 {strides = array<i32>} : memref<2x400x64xf32, #tpu.memory_space<vmem>>, vector<1x1x16xf32>,
      } {sc.loop_unroll_factor = 8 : i64, sc.parallel_access}
      %mul3A_198 = arith.constant 2 : i32
      %mul3A_199 = arith.muli %add3A_137, %mul3A_198 : i32
      %add3A_200 = arith.addi %mul3A_4, %mul3A_199 : i32
      %add3A_201 = arith.constant 0 : i32
      %add3A_202 = arith.addi %add3A_200, %add3A_201 : i32
      %run_scoped3A_203 = arith.constant 1 : i32
      "tpu.region"() ({
        %run_scoped3A_210 = tpu.sem_alloc : memref<!tpu.dma_semaphore, #tpu.memory_space<semaphore_mem>>
        %dma_start3A_211 = arith.constant 0 : i32
        %dma_start3A_212 = arith.constant 0 : i32
        %dma_start3A_213 = tpu.memref_slice %arg6[%run_scoped3A_203, %dma_start3A_211, %dma_start3A_212] : memref<2x400x64xf32, #tpu.memory_space<vmem>> -> memref<1x200x64xf32, #tpu.memory_space<vmem>>
        %dma_start3A_214 = tpu.memref_squeeze %dma_start3A_213 : memref<1x200x64xf32, #tpu.memory_space<vmem>> -> memref<200x64xf32, #tpu.memory_space<vmem>>
        %dma_start3A_215 = arith.constant 0 : i32
        %dma_start3A_216 = arith.constant 0 : i32
        %dma_start3A_217 = tpu.memref_slice %arg4[%add3A_202, %dma_start3A_215, %dma_start3A_216] : memref<4096x200x64xf32, #tpu.memory_space<hbm>> -> memref<1x200x64xf32, #tpu.memory_space<hbm>>
        %dma_start3A_218 = tpu.memref_squeeze %dma_start3A_217 : memref<1x200x64xf32, #tpu.memory_space<hbm>> -> memref<200x64xf32, #tpu.memory_space<hbm>>
        %dma_start3A_219 = arith.constant 0 : i32
        %dma_start3A_220 = arith.constant 0 : i32
        %dma_start3A_221 = tpu.memref_slice %arg4[%add3A_202, %dma_start3A_219, %dma_start3A_220] : memref<4096x200x64xf32, #tpu.memory_space<hbm>> -> memref<1x200x64xf32, #tpu.memory_space<hbm>>
        %dma_start3A_222 = tpu.memref_squeeze %dma_start3A_221 : memref<1x200x64xf32, #tpu.memory_space<hbm>> -> memref<200x64xf32, #tpu.memory_space<hbm>>
        %dma_start3A_223 = arith.constant 0 : i32
        %dma_start3A_224 = arith.constant 0 : i32
        %dma_start3A_225 = tpu.memref_slice %arg6[%run_scoped3A_203, %dma_start3A_223, %dma_start3A_224] : memref<2x400x64xf32, #tpu.memory_space<vmem>> -> memref<1x200x64xf32, #tpu.memory_space<vmem>>
        %dma_start3A_226 = tpu.memref_squeeze %dma_start3A_225 : memref<1x200x64xf32, #tpu.memory_space<vmem>> -> memref<200x64xf32, #tpu.memory_space<vmem>>
        tpu.enqueue_dma source(%dma_start3A_226 : memref<200x64xf32, #tpu.memory_space<vmem>>) target(%dma_start3A_222 : memref<200x64xf32, #tpu.memory_space<hbm>>) target_semaphore(%run_scoped3A_210 : memref<!tpu.dma_semaphore, #tpu.memory_space<semaphore_mem>>)
        %dma_wait3A_227 = arith.constant 0 : i32
        %dma_wait3A_228 = arith.constant 0 : i32
        %dma_wait3A_229 = tpu.memref_slice %arg6[%run_scoped3A_203, %dma_wait3A_227, %dma_wait3A_228] : memref<2x400x64xf32, #tpu.memory_space<vmem>> -> memref<1x200x64xf32, #tpu.memory_space<vmem>>
        %dma_wait3A_230 = tpu.memref_squeeze %dma_wait3A_229 : memref<1x200x64xf32, #tpu.memory_space<vmem>> -> memref<200x64xf32, #tpu.memory_space<vmem>>
        %dma_wait3A_231 = arith.constant 0 : i32
        %dma_wait3A_232 = arith.constant 0 : i32
        %dma_wait3A_233 = tpu.memref_slice %arg4[%add3A_202, %dma_wait3A_231, %dma_wait3A_232] : memref<4096x200x64xf32, #tpu.memory_space<hbm>> -> memref<1x200x64xf32, #tpu.memory_space<hbm>>
        %dma_wait3A_234 = tpu.memref_squeeze %dma_wait3A_233 : memref<1x200x64xf32, #tpu.memory_space<hbm>> -> memref<200x64xf32, #tpu.memory_space<hbm>>
        %dma_wait3A_235 = arith.constant 0 : i32
        %dma_wait3A_236 = arith.constant 0 : i32
        %dma_wait3A_237 = tpu.memref_slice %arg4[%add3A_202, %dma_wait3A_235, %dma_wait3A_236] : memref<4096x200x64xf32, #tpu.memory_space<hbm>> -> memref<1x200x64xf32, #tpu.memory_space<hbm>>
        %dma_wait3A_238 = tpu.memref_squeeze %dma_wait3A_237 : memref<1x200x64xf32, #tpu.memory_space<hbm>> -> memref<200x64xf32, #tpu.memory_space<hbm>>
        %dma_wait3A_239 = arith.constant 0 : i32
        %dma_wait3A_240 = arith.constant 0 : i32
        %dma_wait3A_241 = tpu.memref_slice %arg6[%run_scoped3A_203, %dma_wait3A_239, %dma_wait3A_240] : memref<2x400x64xf32, #tpu.memory_space<vmem>> -> memref<1x200x64xf32, #tpu.memory_space<vmem>>
        %dma_wait3A_242 = tpu.memref_squeeze %dma_wait3A_241 : memref<1x200x64xf32, #tpu.memory_space<vmem>> -> memref<200x64xf32, #tpu.memory_space<vmem>>
        tpu.wait_dma2 semaphore(%run_scoped3A_210 : memref<!tpu.dma_semaphore, #tpu.memory_space<semaphore_mem>>) src(%dma_wait3A_242 : memref<200x64xf32, #tpu.memory_space<vmem>>) dst(%dma_wait3A_238 : memref<200x64xf32, #tpu.memory_space<hbm>>)
        tpu.yield
      }) : () -> ()
      %mul3A_204 = arith.constant 2 : i32
      %mul3A_205 = arith.muli %add3A_137, %mul3A_204 : i32
      %add3A_206 = arith.addi %mul3A_4, %mul3A_205 : i32
      %add3A_207 = arith.constant 1 : i32
      %add3A_208 = arith.addi %add3A_206, %add3A_207 : i32
      %run_scoped3A_209 = arith.constant 1 : i32
      "tpu.region"() ({
        %run_scoped3A_210 = tpu.sem_alloc : memref<!tpu.dma_semaphore, #tpu.memory_space<semaphore_mem>>
        %dma_start3A_211 = arith.constant 200 : i32
        %dma_start3A_212 = arith.constant 0 : i32
        %dma_start3A_213 = tpu.memref_slice %arg6[%run_scoped3A_209, %dma_start3A_211, %dma_start3A_212] : memref<2x400x64xf32, #tpu.memory_space<vmem>> -> memref<1x200x64xf32, #tpu.memory_space<vmem>>
        %dma_start3A_214 = tpu.memref_squeeze %dma_start3A_213 : memref<1x200x64xf32, #tpu.memory_space<vmem>> -> memref<200x64xf32, #tpu.memory_space<vmem>>
        %dma_start3A_215 = arith.constant 0 : i32
        %dma_start3A_216 = arith.constant 0 : i32
        %dma_start3A_217 = tpu.memref_slice %arg4[%add3A_208, %dma_start3A_215, %dma_start3A_216] : memref<4096x200x64xf32, #tpu.memory_space<hbm>> -> memref<1x200x64xf32, #tpu.memory_space<hbm>>
        %dma_start3A_218 = tpu.memref_squeeze %dma_start3A_217 : memref<1x200x64xf32, #tpu.memory_space<hbm>> -> memref<200x64xf32, #tpu.memory_space<hbm>>
        %dma_start3A_219 = arith.constant 0 : i32
        %dma_start3A_220 = arith.constant 0 : i32
        %dma_start3A_221 = tpu.memref_slice %arg4[%add3A_208, %dma_start3A_219, %dma_start3A_220] : memref<4096x200x64xf32, #tpu.memory_space<hbm>> -> memref<1x200x64xf32, #tpu.memory_space<hbm>>
        %dma_start3A_222 = tpu.memref_squeeze %dma_start3A_221 : memref<1x200x64xf32, #tpu.memory_space<hbm>> -> memref<200x64xf32, #tpu.memory_space<hbm>>
        %dma_start3A_223 = arith.constant 200 : i32
        %dma_start3A_224 = arith.constant 0 : i32
        %dma_start3A_225 = tpu.memref_slice %arg6[%run_scoped3A_209, %dma_start3A_223, %dma_start3A_224] : memref<2x400x64xf32, #tpu.memory_space<vmem>> -> memref<1x200x64xf32, #tpu.memory_space<vmem>>
        %dma_start3A_226 = tpu.memref_squeeze %dma_start3A_225 : memref<1x200x64xf32, #tpu.memory_space<vmem>> -> memref<200x64xf32, #tpu.memory_space<vmem>>
        tpu.enqueue_dma source(%dma_start3A_226 : memref<200x64xf32, #tpu.memory_space<vmem>>) target(%dma_start3A_222 : memref<200x64xf32, #tpu.memory_space<hbm>>) target_semaphore(%run_scoped3A_210 : memref<!tpu.dma_semaphore, #tpu.memory_space<semaphore_mem>>)
        %dma_wait3A_227 = arith.constant 200 : i32
        %dma_wait3A_228 = arith.constant 0 : i32
        %dma_wait3A_229 = tpu.memref_slice %arg6[%run_scoped3A_209, %dma_wait3A_227, %dma_wait3A_228] : memref<2x400x64xf32, #tpu.memory_space<vmem>> -> memref<1x200x64xf32, #tpu.memory_space<vmem>>
        %dma_wait3A_230 = tpu.memref_squeeze %dma_wait3A_229 : memref<1x200x64xf32, #tpu.memory_space<vmem>> -> memref<200x64xf32, #tpu.memory_space<vmem>>
        %dma_wait3A_231 = arith.constant 0 : i32
        %dma_wait3A_232 = arith.constant 0 : i32
        %dma_wait3A_233 = tpu.memref_slice %arg4[%add3A_208, %dma_wait3A_231, %dma_wait3A_232] : memref<4096x200x64xf32, #tpu.memory_space<hbm>> -> memref<1x200x64xf32, #tpu.memory_space<hbm>>
        %dma_wait3A_234 = tpu.memref_squeeze %dma_wait3A_233 : memref<1x200x64xf32, #tpu.memory_space<hbm>> -> memref<200x64xf32, #tpu.memory_space<hbm>>
        %dma_wait3A_235 = arith.constant 0 : i32
        %dma_wait3A_236 = arith.constant 0 : i32
        %dma_wait3A_237 = tpu.memref_slice %arg4[%add3A_208, %dma_wait3A_235, %dma_wait3A_236] : memref<4096x200x64xf32, #tpu.memory_space<hbm>> -> memref<1x200x64xf32, #tpu.memory_space<hbm>>
        %dma_wait3A_238 = tpu.memref_squeeze %dma_wait3A_237 : memref<1x200x64xf32, #tpu.memory_space<hbm>> -> memref<200x64xf32, #tpu.memory_space<hbm>>
        %dma_wait3A_239 = arith.constant 200 : i32
        %dma_wait3A_240 = arith.constant 0 : i32
        %dma_wait3A_241 = tpu.memref_slice %arg6[%run_scoped3A_209, %dma_wait3A_239, %dma_wait3A_240] : memref<2x400x64xf32, #tpu.memory_space<vmem>> -> memref<1x200x64xf32, #tpu.memory_space<vmem>>
        %dma_wait3A_242 = tpu.memref_squeeze %dma_wait3A_241 : memref<1x200x64xf32, #tpu.memory_space<vmem>> -> memref<200x64xf32, #tpu.memory_space<vmem>>
        tpu.wait_dma2 semaphore(%run_scoped3A_210 : memref<!tpu.dma_semaphore, #tpu.memory_space<semaphore_mem>>) src(%dma_wait3A_242 : memref<200x64xf32, #tpu.memory_space<vmem>>) dst(%dma_wait3A_238 : memref<200x64xf32, #tpu.memory_space<hbm>>)
        tpu.yield
      }) : () -> ()
    }
    %scan3A_62 = arith.constant 32 : i32
    return
  }
}

</mosaic_0001>

<sc_bundles>
// kernel: kernel.3.cloned.1.call-start
scs
__scs_entry_jumppad:
0x0: {  	(pc) =	sbr.rel $0x88, $3  }
0x1: {  	(tag) =	ssettag $0x0;
	lr =	simm.s32 $0x1  }
0x2: {  	[smem:$0x3F9F] =	sst lr;
	_ =	strace $0xD0000000  }
0x3: {  	_ = 	snop  }
0x4: {  	_ = 	snop  }
0x5: {  	_ = 	snop  }
0x6: {  	_ = 	snop  }
0x7: {  	_ = 	snop  }
__scs_overlays_trampoline_lowered:
0x8: {  	[smem:$0x3FAE] =	sst s0  }
0x9: {  	[smem:$0x3FAF] =	sst s1  }
0xa: {  	[smem:$0x3FB0] =	sst s2  }
0xb: {  	[smem:$0x3FB1] =	sst s3  }
0xc: {  	[smem:$0x3FB2] =	sst s4  }
0xd: {  	[smem:$0x3FB3] =	sst s5  }
0xe: {  	[smem:$0x3FB4] =	sst s6  }
0xf: {  	[smem:$0x3FB5] =	sst s7  }
0x10: {  	[smem:$0x3FB6] =	sst s8  }
0x11: {  	[smem:$0x3FB7] =	sst s9;
	s0 =	simm.s32 @!p0 $0x0  }
0x12: {  	s1 =	sld [smem:$0x3F9D];
	s0 =	simm.s32 @p0 $0x1  }
0x13: {  	[smem:$0x3FB8] =	sst s0;
	s0 =	simm.s32 @!p1 $0x0  }
0x14: {  	s2 =	sld [smem:$0x3F9C];
	s0 =	simm.s32 @p1 $0x1  }
0x15: {  	[smem:$0x3FB9] =	sst s0;
	s0 =	simm.s32 @!p2 $0x0  }
0x16: {  	s3 =	sld [smem:$0x3FDB];
	s0 =	simm.s32 @p2 $0x1  }
0x17: {  	s4 =	simm.s32 $0x1BF5;
	[smem:$0x3FBB] =	sst s0  }
0x18: {  	s0 =	sld [smem:$0x3F9E];
	_ =	swait.ge [sflag:s4], $0x0  }
0x19: {  	s7 =	sld [smem:$0x3F9F]  }
0x1a: {  	s8 =	sadd.s32 $0xFFFFE003, lr  }
0x1b: {  	s9 =	sadd.s32 $0xFFFFFEF7, lr;
	s5 =	simm.s32 $0xFFFFFFFF;
	p2 =	slt.u32 s8, $0xFFFFF086  }
0x1c: {  	p1 =	slt.u32 s9, $0xF7A;
	s5 =	simm.s32 @!p2 $0x0  }
0x1d: {  	s5 =	simm.s32 @p1 $0x1;
	p0 =	seq.s32 s7, s2  }
0x1e: {  	s7 =	smul.u32 @!p0 $0xF7A, s2;
	p2 =	seq.s32 @!p0 s5, $0x0  }
0x1f: {  	s9 =	smul.u32 $0xF7A, s1;
	s8 =	simm.s32 @!p0 $0x1BF5;
	p2 =	por !p2, p0  }
0x20: {  	[sflag:s8] =	ssyncset.s32 @!p0 $0xFFFFF086;
	s6 =	sadd.s32 @!p0 s3, s7;
	s7 =	simm.s32 @!p0 $0x108  }
0x21: {  	s3 =	sadd.s32 s3, s9;
	s6 =	sadd.s32 @!p0 $0x88, s6;
	s7 =	simm.s32 @p2 $0x1082  }
0x22: {  	[simem:s7], [sflag:s8] =	dma.local @!p0 [hbm:s6], $0xF7A  }
0x23: {  	s9 =	sor.u32 $0xD0000000, s2;
	s6 =	simm.s32 $0x108;
	_ =	swait.ge @!p0 [sflag:s8], $0x0  }
0x24: {  	s3 =	sadd.s32 $0x88, s3;
	s6 =	simm.s32 @!p1 $0x1082;
	[sflag:s4] =	ssyncset.s32 $0xFFFFF086  }
0x25: {  	[simem:s6], [sflag:s4] =	dma.local [hbm:s3], $0xF7A  }
0x26: {  	[smem:$0x3F9F] =	sst s1;
	(tag) =	ssettag s2;
	_ =	strace s9  }
0x27: {  	s1 =	sld [smem:$0x3FAF]  }
0x28: {  	s2 =	sld [smem:$0x3FB0]  }
0x29: {  	s4 =	sld [smem:$0x3FB2]  }
0x2a: {  	p0 =	seq.s32 s5, $0x0;
	s5 =	sld [smem:$0x3FB3]  }
0x2b: {  	s6 =	sld [smem:$0x3FB4]  }
0x2c: {  	s7 =	sld [smem:$0x3FB5]  }
0x2d: {  	s3 =	simm.s32 $0x108;
	s8 =	sld [smem:$0x3FB6]  }
0x2e: {  	s3 =	simm.s32 @!p0 $0x1082;
	s9 =	sld [smem:$0x3FB7]  }
0x2f: {  	lr =	sadd.s32 s0, s3;
	s0 =	sld [smem:$0x3FAE]  }
0x30: {  	s3 =	sld [smem:$0x3FB1]  }
0x31: {  	[smem:$0x3FBA] =	sst s10  }
0x32: {  	s10 =	sld [smem:$0x3FB8];
	_ =	sdelay $0x3  }
0x33: {  	p0 =	seq.s32 s10, $0x1;
	s10 =	sld [smem:$0x3FBA];
	_ =	sdelay $0x3  }
0x34: {  	[smem:$0x3FBA] =	sst s10  }
0x35: {  	s10 =	sld [smem:$0x3FB9];
	_ =	sdelay $0x3  }
0x36: {  	p1 =	seq.s32 s10, $0x1;
	s10 =	sld [smem:$0x3FBA];
	_ =	sdelay $0x3  }
0x37: {  	[smem:$0x3FBA] =	sst s10  }
0x38: {  	s10 =	sld [smem:$0x3FBB]  }
0x39: {  	_ = 	snop;
	(pc) =	sbr.ind lr, $3  }
0x3a: {  	_ = 	snop  }
0x3b: {  	_ = 	snop  }
0x3c: {  	p2 =	seq.s32 s10, $0x1;
	s10 =	sld [smem:$0x3FBA]  }
0x3d: {  	_ =	shalt  }
0x3e: {  	_ =	shalt  }
0x3f: {  	_ =	shalt  }
0x40: {  	_ =	shalt  }
0x41: {  	_ =	shalt  }
0x42: {  	_ =	shalt  }
0x43: {  	_ =	shalt  }
0x44: {  	_ =	shalt  }
0x45: {  	_ =	shalt  }
0x46: {  	_ =	shalt  }
0x47: {  	_ =	shalt  }
0x48: {  	_ =	shalt  }
0x49: {  	_ =	shalt  }
0x4a: {  	_ =	shalt  }
0x4b: {  	_ =	shalt  }
0x4c: {  	_ =	shalt  }
0x4d: {  	_ =	shalt  }
0x4e: {  	_ =	shalt  }
0x4f: {  	_ =	shalt  }
0x50: {  	_ =	shalt  }
0x51: {  	_ =	shalt  }
0x52: {  	_ =	shalt  }
0x53: {  	_ =	shalt  }
0x54: {  	_ =	shalt  }
0x55: {  	_ =	shalt  }
0x56: {  	_ =	shalt  }
0x57: {  	_ =	shalt  }
0x58: {  	_ =	shalt  }
0x59: {  	_ =	shalt  }
0x5a: {  	_ =	shalt  }
0x5b: {  	_ =	shalt  }
0x5c: {  	_ =	shalt  }
0x5d: {  	_ =	shalt  }
0x5e: {  	_ =	shalt  }
0x5f: {  	_ =	shalt  }
0x60: {  	_ =	shalt  }
0x61: {  	_ =	shalt  }
0x62: {  	_ =	shalt  }
0x63: {  	_ =	shalt  }
0x64: {  	_ =	shalt  }
0x65: {  	_ =	shalt  }
0x66: {  	_ =	shalt  }
0x67: {  	_ =	shalt  }
0x68: {  	_ =	shalt  }
0x69: {  	_ =	shalt  }
0x6a: {  	_ =	shalt  }
0x6b: {  	_ =	shalt  }
0x6c: {  	_ =	shalt  }
0x6d: {  	_ =	shalt  }
0x6e: {  	_ =	shalt  }
0x6f: {  	_ =	shalt  }
0x70: {  	_ =	shalt  }
0x71: {  	_ =	shalt  }
0x72: {  	_ =	shalt  }
0x73: {  	_ =	shalt  }
0x74: {  	_ =	shalt  }
0x75: {  	_ =	shalt  }
0x76: {  	_ =	shalt  }
0x77: {  	_ =	shalt  }
0x78: {  	_ =	shalt  }
0x79: {  	_ =	shalt  }
0x7a: {  	_ =	shalt  }
0x7b: {  	_ =	shalt  }
0x7c: {  	_ =	shalt  }
0x7d: {  	_ =	shalt  }
0x7e: {  	_ =	shalt  }
0x7f: {  	_ =	shalt  }
0x80: {  	_ =	shalt  }
0x81: {  	_ =	shalt  }
0x82: {  	_ =	shalt  }
0x83: {  	_ =	shalt  }
0x84: {  	_ =	shalt  }
0x85: {  	_ =	shalt  }
0x86: {  	_ =	shalt  }
0x87: {  	_ =	shalt  }
.Lfunc_end0:
.L_simem_size_0:
called_computation.1_lowered:
.L_overlay_start_0:
0x88: {  	s2 =	sld [smem:$0x3FD9]  }
0x89: {  	s3 =	sld [smem:$0x3FFE];
	_ =	sdelay $0x1  }
0x8a: {  	s1 =	srdreg.scid  }
0x8b: {  	s0 =	sand.u32 $0x1, s1  }
0x8c: {  	s17 =	sshll.u32 s0, $0xA;
	s2 =	sadd.s32 s3, s2  }
0x8d: {  	s2 =	sadd.s32 s2, s17  }
0x8e: {  	[smem:$0x3FC6] =	sst s2  }
0x8f: {  	_ = 	snop  }
0x90: {  	s2 =	sld [smem:$0x3FD0];
	(tm) =	ssettm $0x1  }
0x91: {  	s18 =	sld [smem:$0x3FFB];
	_ =	sdelay $0x3  }
0x92: {  	_ =	strace s18  }
0x93: {  	s3 =	sld [smem:$0x3FFC];
	_ =	sdelay $0x3  }
0x94: {  	_ =	strace s3  }
0x95: {  	s3 =	sld [smem:$0x3FFD];
	_ =	sdelay $0x3  }
0x96: {  	_ =	strace s3  }
0x97: {  	_ =	strace $0x8FFFFFFF  }
0x98: {  	s19 =	sld [smem:$0x3FDB];
	_ =	sdelay $0x1  }
0x99: {  	s4 =	simm.s32 $_scs_section_size  }
0x9a: {  	s5 =	simm.s32 $_size__tile_overlayer_lowered;
	s6 =	simm.s32 $_tile_overlayer_lowered  }
0x9b: {  	s22 =	simm.s32 $0x1BFF;
	s21 =	sshll.u32 s6, $0x1;
	s3 =	sadd.s32 s4, s19  }
0x9c: {  	s7 =	simm.s32 $0x0;
	s20 =	sshll.u32 s5, $0x1;
	s5 =	sadd.s32 s21, s3  }
0x9d: {  	[timem:s7], [sflag:s22] =	dma.local [hbm:s5], s20  }
0x9e: {  	_ =	swait.ge [sflag:s22], s20  }
0x9f: {  	s4 =	ssub.s32 $0x0, s20;
	[sflag:s22] =	ssyncset.done $0x0  }
0xa0: {  	[sflag:s22] =	ssyncadd.s32 s4;
	_ =	sdelay $0x1  }
0xa1: {  	s23 =	simm.s32 $0x1B8B  }
0xa2: {  	_ =	swait.ge [sflag:s23], $0x1  }
0xa3: {  	[sflag:s23] =	ssyncset.done $0x0  }
0xa4: {  	s25 =	simm.s32 $0x1B8E;
	s24 =	sld [smem:$0x3FFE];
	[sflag:s23] =	ssyncadd.s32 $0xFFFFFFFF  }
0xa5: {  	s26 =	simm.s32 $execute0_lowered;
	[smem:$0x3FD2] =	sst s25  }
0xa6: {  	s5 =	sshll.u32 s26, $0x1;
	_ =	strace $0x80000046;
	[dreg:$0x1] =	wrdreg $0xFFFFFFFF  }
0xa7: {  	s28 =	simm.s32 $_size_execute0_lowered;
	s3 =	sadd.s32 s3, s5;
	[dreg:$0x0] =	wrdreg $0x0  }
0xa8: {  	s5 =	sshll.u32 s28, $0x1;
	[dreg:$0x2] =	wrdreg s3  }
0xa9: {  	[dreg:$0x3] =	wrdreg s5  }
0xaa: {  	[dreg:$0x4] =	wrdreg $0xC0  }
0xab: {  	_ =	task [dreg:s7], $0x5FFFF  }
0xac: {  	[dreg:$0x1] =	wrdreg $0xFFFFFFFF  }
0xad: {  	[dreg:$0x0] =	wrdreg $0x60  }
0xae: {  	[dreg:$0x2] =	wrdreg s24  }
0xaf: {  	[dreg:$0x3] =	wrdreg s2  }
0xb0: {  	[dreg:$0x4] =	wrdreg $0x9  }
0xb1: {  	_ =	task.clear_ibuf [dreg:s7], $0x5FFFF;
	_ =	strace $0x90000046  }
0xb2: {  	s29 =	simm.s32 $0x9;
	_ =	strace $0x80000048  }
0xb3: {  	_ =	swait.ge [sflag:s29], $0x1  }
0xb4: {  	[sflag:s29] =	ssyncadd.s32 $0xFFFFFFFF  }
0xb5: {  	_ =	strace $0x90000048  }
0xb6: {  	_ =	sfence  }
0xb7: {  	s30 =	sld [smem:$0x0];
	_ =	sdelay $0x2  }
0xb8: {  	s31 =	sshll.u32 s1, $0xD;
	s1 =	sshrl.u32 s1, $0x2  }
0xb9: {  	s3 =	sand.u32 $0x4000, s31;
	s1 =	sadd.s32 s1, s30  }
0xba: {  	s0 =	sor.u32 s3, s0;
	s1 =	sshll.u32 s1, $0x11  }
0xbb: {  	s0 =	sor.u32 s1, s0  }
0xbc: {  	s0 =	sadd.s32 $0x8F2B, s0  }
0xbd: {  	[sflag:s0] =	ssyncadd.remote.s32 $0x1  }
0xbe: {  	_ =	sfence.sel $0xFFFF  }
0xbf: {  	[dreg:$0x0] =	wrdreg $0xFFFFFFFF;
	(pc) =	sbr.abs _section_cstart, $3  }
0xc0: {  	[dreg:$0x1] =	wrdreg $0xFFFFFFFF  }
0xc1: {  	_ =	task.clear_ibuf [dreg:s7], $0x2FFFF;
	_ =	strace $0x9FFFFFFF  }
0xc2: {  	(tm) =	ssettm $0x7FFFFFFF  }
0xc3: {  	_ =	shalt  }
tec
execute0_lowered:
.L_overlay_start_1:
0x0: {  	(tag) =	ssettag $0x1  }
0x1: {  	s0 =	rddreg [dreg:$0x0];
	s1 =	srdreg.scid  }
0x2: {  	s3 =	stileid.u32;
	s2 =	rddreg [dreg:$0x1];
	s8 =	simm.s32 $0x3  }
0x3: {  	s9 =	simm.s32 $0x50;
	s10 =	simm.s32 $0x6400;
	s12 =	simm.s32 $0xA0  }
0x4: {  	s13 =	simm.s32 $0x8C00;
	s14 =	simm.s32 $0xF0;
	s15 =	simm.s32 $0xA000  }
0x5: {  	s16 =	simm.s32 $0x140;
	s17 =	simm.s32 $0xB400;
	s18 =	simm.s32 $0xC800  }
0x6: {  	s19 =	simm.s32 $0xDC00;
	s20 =	simm.s32 $0xF000;
	s21 =	simm.s32 $0x10400  }
0x7: {  	s22 =	simm.s32 $0x11800;
	s23 =	simm.s32 $0x1;
	s24 =	simm.s32 $0x9600  }
0x8: {  	s25 =	simm.s32 $0x2;
	s1 =	sand.u32 $0x1, s1;
	s4 =	sshll.u32 s3, $0x1  }
0x9: {  	s26 =	simm.s32 $0xFA00;
	s3 =	simm.s32 $0x0;
	s5 =	sor.u32 s1, s4  }
0xa: {  	[smem:$0x7FF] =	sst s3;
	s1 =	ssub.s32 $0x2, s1;
	s4 =	smul.u32 $0xC80, s5  }
0xb: {  	s28 =	simm.s32 $0x0;
	_ =	strace $0x80000047;
	s31 =	sshrl.u32 s1, $0x1  }
0xc: {  	s6 =	sadd.s32 s4, s0;
	s4 =	sadd.s32 $0xF42E00, s0;
	s0 =	ssub.s32 s1, s31  }
0xd: {  	s5 =	sshll.u32 s5, $0x7;
	s6 =	sadd.s32 $0xA00, s6;
	s7 =	smax.u32 s0, $0x1  }
.LBB2_1:
0xe: {  	[tilespmem:s3], [sflag:$0x3] =	stream.linear.gather [hbm4b:s6+s3], $0x6400, $0x38;
	[tilespmem:$0x12C00] =	vst v63  }
0xf: {  	_ =	swait.ge [sflag:s8], $0x6400  }
0x10: {  	[sflag:s8] =	ssyncset.done $0x0  }
0x11: {  	[sflag:s8] =	ssyncadd.s32 $0xFFFF9C00  }
0x12: {  	[tilespmem:s10], [sflag:$0x1] =	stream.indirect.gather [hbm4b:s4+s9], $0x40, s3, s9, $0xb8;
	[tilespmem:$0x12C00] =	vst v63  }
0x13: {  	s0 =	simm.s32 $0x7800  }
0x14: {  	[tilespmem:s0], [sflag:$0x1] =	stream.indirect.gather [hbm4b:s4+s9], $0x40, s9, s9, $0xb8;
	[tilespmem:$0x12C00] =	vst v63  }
0x15: {  	_ = 	snop  }
0x16: {  	[tilespmem:s13], [sflag:$0x1] =	stream.indirect.gather [hbm4b:s4+s9], $0x40, s12, s9, $0xb8;
	[tilespmem:$0x12C00] =	vst v63  }
0x17: {  	_ = 	snop  }
0x18: {  	[tilespmem:s15], [sflag:$0x1] =	stream.indirect.gather [hbm4b:s4+s9], $0x40, s14, s9, $0xb8;
	[tilespmem:$0x12C00] =	vst v63  }
0x19: {  	s29 =	simm.s32 $0x0  }
0x1a: {  	[tilespmem:s17], [sflag:$0x1] =	stream.indirect.gather [hbm4b:s4+s9], $0x40, s16, s9, $0xb8;
	[tilespmem:$0x12C00] =	vst v63  }
.LBB2_2:
0x1b: {  	s30 =	sshllo.u32 s29, $0x1  }
0x1c: {  	s0 =	smul.u32 $0x640, s30;
	_ =	sdelay $0x1  }
0x1d: {  	s0 =	sshra.s32 s0, $0x2  }
0x1e: {  	[tilespmem:s18], [sflag:$0x2] =	stream.indirect.gather [hbm4b:s4+s9], $0x40, s0, s9, $0xb8;
	[tilespmem:$0x12C00] =	vst v63  }
0x1f: {  	s1 =	sadd.s32 $0x50, s0  }
0x20: {  	[tilespmem:s19], [sflag:$0x2] =	stream.indirect.gather [hbm4b:s4+s9], $0x40, s1, s9, $0xb8;
	[tilespmem:$0x12C00] =	vst v63  }
0x21: {  	s11 =	sadd.s32 $0xA0, s0  }
0x22: {  	[tilespmem:s20], [sflag:$0x2] =	stream.indirect.gather [hbm4b:s4+s9], $0x40, s11, s9, $0xb8;
	[tilespmem:$0x12C00] =	vst v63  }
0x23: {  	s11 =	sadd.s32 $0xF0, s0  }
0x24: {  	[tilespmem:s21], [sflag:$0x2] =	stream.indirect.gather [hbm4b:s4+s9], $0x40, s11, s9, $0xb8;
	[tilespmem:$0x12C00] =	vst v63  }
0x25: {  	s0 =	sadd.s32 $0x140, s0  }
0x26: {  	[tilespmem:s22], [sflag:$0x2] =	stream.indirect.gather [hbm4b:s4+s9], $0x40, s0, s9, $0xb8;
	[tilespmem:$0x12C00] =	vst v63  }
0x27: {  	_ =	swait.ge [sflag:s23], $0x1400  }
0x28: {  	[sflag:s23] =	ssyncset.done $0x0  }
0x29: {  	[sflag:s23] =	ssyncadd.s32 $0xFFFFEC00  }
0x2a: {  	_ =	swait.ge [sflag:s23], $0x1400  }
0x2b: {  	[sflag:s23] =	ssyncset.done $0x0  }
0x2c: {  	[sflag:s23] =	ssyncadd.s32 $0xFFFFEC00  }
0x2d: {  	_ =	swait.ge [sflag:s23], $0x1400  }
0x2e: {  	[sflag:s23] =	ssyncset.done $0x0  }
0x2f: {  	[sflag:s23] =	ssyncadd.s32 $0xFFFFEC00  }
0x30: {  	_ =	swait.ge [sflag:s23], $0x1400  }
0x31: {  	[sflag:s23] =	ssyncset.done $0x0  }
0x32: {  	[sflag:s23] =	ssyncadd.s32 $0xFFFFEC00  }
0x33: {  	_ =	swait.ge [sflag:s23], $0x1400  }
0x34: {  	[sflag:s23] =	ssyncset.done $0x0  }
0x35: {  	s31 =	simm.s32 $0x6500;
	[sflag:s23] =	ssyncadd.s32 $0xFFFFEC00  }
0x36: {  	v0 =	vld [tilespmem:s31+$0xF0]  }
0x37: {  	v1 =	vld [tilespmem:s31+$0xFFFFFF10]  }
0x38: {  	v2 =	vld [tilespmem:s31+$0xFFFFFF20]  }
0x39: {  	v3 =	vld [tilespmem:s31+$0xFFFFFF30]  }
0x3a: {  	v4 =	vld [tilespmem:s31+$0xFFFFFF40]  }
0x3b: {  	v5 =	vld [tilespmem:s31+$0xFFFFFF50];
	v0 =	vmul.f32 $8.000000000e+00, v0  }
0x3c: {  	v6 =	vld [tilespmem:s31+$0xFFFFFF60];
	v1 =	vmul.f32 $8.000000000e+00, v1  }
0x3d: {  	v7 =	vld [tilespmem:s31+$0xFFFFFF70];
	v2 =	vmul.f32 $8.000000000e+00, v2;
	[tilespmem:s31+$0xF0] =	vst v0  }
0x3e: {  	[tilespmem:s31+$0xFFFFFF10] =	vst v1;
	v0 =	vmul.f32 $8.000000000e+00, v3;
	v1 =	vld [tilespmem:s31+$0xFFFFFF80]  }
0x3f: {  	[tilespmem:s31+$0xFFFFFF20] =	vst v2;
	v2 =	vmul.f32 $8.000000000e+00, v4;
	v3 =	vld [tilespmem:s31+$0xFFFFFF90]  }
0x40: {  	v4 =	vld [tilespmem:s31+$0xFFFFFFA0];
	[tilespmem:s31+$0xFFFFFF30] =	vst v0;
	v0 =	vmul.f32 $8.000000000e+00, v5  }
0x41: {  	[tilespmem:s31+$0xFFFFFF40] =	vst v2;
	v2 =	vmul.f32 $8.000000000e+00, v6;
	v5 =	vld [tilespmem:s31+$0xFFFFFFB0]  }
0x42: {  	v6 =	vld [tilespmem:s31+$0xFFFFFFC0];
	[tilespmem:s31+$0xFFFFFF50] =	vst v0;
	v0 =	vmul.f32 $8.000000000e+00, v7  }
0x43: {  	[tilespmem:s31+$0xFFFFFF60] =	vst v2;
	v2 =	vld [tilespmem:s31+$0xFFFFFFD0];
	v1 =	vmul.f32 $8.000000000e+00, v1  }
0x44: {  	[tilespmem:s31+$0xFFFFFF70] =	vst v0;
	v0 =	vmul.f32 $8.000000000e+00, v3;
	v3 =	vld [tilespmem:s31+$0xFFFFFFE0]  }
0x45: {  	[tilespmem:s31+$0xFFFFFF80] =	vst v1;
	v1 =	vmul.f32 $8.000000000e+00, v4;
	v4 =	vld [tilespmem:s31+$0xFFFFFFF0]  }
0x46: {  	[tilespmem:s31+$0xFFFFFF90] =	vst v0;
	v0 =	vmul.f32 $8.000000000e+00, v5;
	v5 =	vld [tilespmem:s31+$0x0]  }
0x47: {  	[tilespmem:s31+$0xFFFFFFA0] =	vst v1;
	v1 =	vmul.f32 $8.000000000e+00, v6;
	v6 =	vld [tilespmem:s31+$0x10]  }
0x48: {  	[tilespmem:s31+$0xFFFFFFB0] =	vst v0;
	v0 =	vmul.f32 $8.000000000e+00, v2;
	v2 =	vld [tilespmem:s31+$0x20]  }
0x49: {  	[tilespmem:s31+$0xFFFFFFC0] =	vst v1;
	v1 =	vmul.f32 $8.000000000e+00, v3;
	v3 =	vld [tilespmem:s31+$0x30]  }
0x4a: {  	[tilespmem:s31+$0xFFFFFFD0] =	vst v0;
	v0 =	vmul.f32 $8.000000000e+00, v4;
	v4 =	vld [tilespmem:s31+$0x40]  }
0x4b: {  	[tilespmem:s31+$0xFFFFFFE0] =	vst v1;
	v1 =	vmul.f32 $8.000000000e+00, v5;
	v5 =	vld [tilespmem:s31+$0x50]  }
0x4c: {  	[tilespmem:s31+$0xFFFFFFF0] =	vst v0;
	v0 =	vmul.f32 $8.000000000e+00, v6;
	v6 =	vld [tilespmem:s31+$0x60]  }
0x4d: {  	[tilespmem:s31+$0x0] =	vst v1;
	v1 =	vmul.f32 $8.000000000e+00, v2;
	v2 =	vld [tilespmem:s31+$0x70]  }
0x4e: {  	[tilespmem:s31+$0x10] =	vst v0;
	v0 =	vmul.f32 $8.000000000e+00, v3;
	v3 =	vld [tilespmem:s31+$0x80]  }
0x4f: {  	v7 =	vld [tilespmem:s31+$0x90];
	[tilespmem:s31+$0x20] =	vst v1;
	v1 =	vmul.f32 $8.000000000e+00, v4  }
0x50: {  	v8 =	vld [tilespmem:s31+$0xA0];
	[tilespmem:s31+$0x30] =	vst v0;
	v4 =	vmul.f32 $8.000000000e+00, v5  }
0x51: {  	v0 =	vld [tilespmem:s31+$0xB0];
	[tilespmem:s31+$0x40] =	vst v1;
	v5 =	vmul.f32 $8.000000000e+00, v6  }
0x52: {  	v1 =	vld [tilespmem:s31+$0xC0];
	[tilespmem:s31+$0x50] =	vst v4;
	v2 =	vmul.f32 $8.000000000e+00, v2  }
0x53: {  	v4 =	vld [tilespmem:s31+$0xD0];
	[tilespmem:s31+$0x60] =	vst v5;
	v6 =	vmul.f32 $8.000000000e+00, v3  }
0x54: {  	v5 =	vmul.f32 $8.000000000e+00, v7;
	[tilespmem:s31+$0x70] =	vst v2;
	v2 =	vld [tilespmem:s31+$0xE0]  }
0x55: {  	s1 =	simm.s32 $0x0;
	s0 =	simm.s32 $0x6700;
	v3 =	vld [tilespmem:s31+$0xFFFFFF00];
	[tilespmem:s31+$0x80] =	vst v6;
	v6 =	vmul.f32 $8.000000000e+00, v8  }
.LBB2_3:
0x56: {  	v7 =	vld [tilespmem:s0+$0xF0];
	s1 =	sadd.s32 $0x8, s1;
	[tilespmem:s31+$0x90] =	vst v5;
	v0 =	vmul.f32 $8.000000000e+00, v0  }
0x57: {  	v5 =	vld [tilespmem:s0+$0xFFFFFF10];
	p0 =	slt.u32 s1, $0x188;
	[tilespmem:s31+$0xA0] =	vst v6;
	v1 =	vmul.f32 $8.000000000e+00, v1  }
0x58: {  	v6 =	vld [tilespmem:s0+$0xFFFFFF20];
	[tilespmem:s31+$0xB0] =	vst v0;
	v0 =	vmul.f32 $8.000000000e+00, v4  }
0x59: {  	v4 =	vld [tilespmem:s0+$0xFFFFFF30];
	[tilespmem:s31+$0xC0] =	vst v1;
	v1 =	vmul.f32 $8.000000000e+00, v2  }
0x5a: {  	v2 =	vld [tilespmem:s0+$0xFFFFFF40];
	v3 =	vmul.f32 $8.000000000e+00, v3;
	[tilespmem:s31+$0xD0] =	vst v0  }
0x5b: {  	v0 =	vld [tilespmem:s0+$0xFFFFFF50];
	v7 =	vmul.f32 $8.000000000e+00, v7;
	[tilespmem:s31+$0xE0] =	vst v1  }
0x5c: {  	v1 =	vmul.f32 $8.000000000e+00, v5;
	v5 =	vld [tilespmem:s0+$0xFFFFFF60];
	[tilespmem:s31+$0xFFFFFF00] =	vst v3;
	s31 =	smov.u32 s0  }
0x5d: {  	v3 =	vmul.f32 $8.000000000e+00, v6;
	v6 =	vld [tilespmem:s0+$0xFFFFFF70];
	[tilespmem:s0+$0xF0] =	vst v7  }
0x5e: {  	[tilespmem:s0+$0xFFFFFF10] =	vst v1;
	v1 =	vmul.f32 $8.000000000e+00, v4;
	v4 =	vld [tilespmem:s0+$0xFFFFFF80]  }
0x5f: {  	[tilespmem:s0+$0xFFFFFF20] =	vst v3;
	v2 =	vmul.f32 $8.000000000e+00, v2;
	v3 =	vld [tilespmem:s0+$0xFFFFFF90]  }
0x60: {  	[tilespmem:s0+$0xFFFFFF30] =	vst v1;
	v0 =	vmul.f32 $8.000000000e+00, v0;
	v1 =	vld [tilespmem:s0+$0xFFFFFFA0]  }
0x61: {  	[tilespmem:s0+$0xFFFFFF40] =	vst v2;
	v2 =	vmul.f32 $8.000000000e+00, v5;
	v5 =	vld [tilespmem:s0+$0xFFFFFFB0]  }
0x62: {  	[tilespmem:s0+$0xFFFFFF50] =	vst v0;
	v0 =	vmul.f32 $8.000000000e+00, v6;
	v6 =	vld [tilespmem:s0+$0xFFFFFFC0]  }
0x63: {  	[tilespmem:s0+$0xFFFFFF60] =	vst v2;
	v2 =	vmul.f32 $8.000000000e+00, v4;
	v4 =	vld [tilespmem:s0+$0xFFFFFFD0]  }
0x64: {  	[tilespmem:s0+$0xFFFFFF70] =	vst v0;
	v0 =	vmul.f32 $8.000000000e+00, v3;
	v3 =	vld [tilespmem:s0+$0xFFFFFFE0]  }
0x65: {  	[tilespmem:s0+$0xFFFFFF80] =	vst v2;
	v1 =	vmul.f32 $8.000000000e+00, v1;
	v2 =	vld [tilespmem:s0+$0xFFFFFFF0]  }
0x66: {  	[tilespmem:s0+$0xFFFFFF90] =	vst v0;
	v0 =	vmul.f32 $8.000000000e+00, v5;
	v5 =	vld [tilespmem:s0+$0x0]  }
0x67: {  	[tilespmem:s0+$0xFFFFFFA0] =	vst v1;
	v1 =	vmul.f32 $8.000000000e+00, v6;
	v6 =	vld [tilespmem:s0+$0x10]  }
0x68: {  	[tilespmem:s0+$0xFFFFFFB0] =	vst v0;
	v0 =	vmul.f32 $8.000000000e+00, v4;
	v4 =	vld [tilespmem:s0+$0x20]  }
0x69: {  	[tilespmem:s0+$0xFFFFFFC0] =	vst v1;
	v1 =	vmul.f32 $8.000000000e+00, v3;
	v3 =	vld [tilespmem:s0+$0x30]  }
0x6a: {  	[tilespmem:s0+$0xFFFFFFD0] =	vst v0;
	v0 =	vmul.f32 $8.000000000e+00, v2;
	v2 =	vld [tilespmem:s0+$0x40]  }
0x6b: {  	[tilespmem:s0+$0xFFFFFFE0] =	vst v1;
	v1 =	vmul.f32 $8.000000000e+00, v5;
	v5 =	vld [tilespmem:s0+$0x50]  }
0x6c: {  	[tilespmem:s0+$0xFFFFFFF0] =	vst v0;
	v0 =	vmul.f32 $8.000000000e+00, v6;
	v6 =	vld [tilespmem:s0+$0x60]  }
0x6d: {  	[tilespmem:s0+$0x0] =	vst v1;
	v1 =	vmul.f32 $8.000000000e+00, v4;
	v4 =	vld [tilespmem:s0+$0x70]  }
0x6e: {  	[tilespmem:s0+$0x10] =	vst v0;
	v0 =	vmul.f32 $8.000000000e+00, v3;
	v3 =	vld [tilespmem:s0+$0x80]  }
0x6f: {  	[tilespmem:s0+$0x20] =	vst v1;
	v1 =	vmul.f32 $8.000000000e+00, v2;
	v2 =	vld [tilespmem:s0+$0x90]  }
0x70: {  	[tilespmem:s0+$0x30] =	vst v0;
	v5 =	vmul.f32 $8.000000000e+00, v5;
	v7 =	vld [tilespmem:s0+$0xA0]  }
.Ltmp0:
0x71: {  	[tilespmem:s0+$0x40] =	vst v1;
	v6 =	vmul.f32 $8.000000000e+00, v6;
	v0 =	vld [tilespmem:s0+$0xB0];
	(pc) =	sbr.rel @p0 .LBB2_3-.Ltmp0, $4  }
0x72: {  	[tilespmem:s0+$0x50] =	vst v5;
	v5 =	vmul.f32 $8.000000000e+00, v4;
	v1 =	vld [tilespmem:s0+$0xC0]  }
0x73: {  	[tilespmem:s0+$0x60] =	vst v6;
	v6 =	vmul.f32 $8.000000000e+00, v3;
	v4 =	vld [tilespmem:s0+$0xD0]  }
0x74: {  	[tilespmem:s0+$0x70] =	vst v5;
	v5 =	vmul.f32 $8.000000000e+00, v2;
	v2 =	vld [tilespmem:s0+$0xE0]  }
0x75: {  	s0 =	sadd.s32 $0x200, s0;
	v3 =	vld [tilespmem:s31+$0xFFFFFF00];
	[tilespmem:s31+$0x80] =	vst v6;
	v6 =	vmul.f32 $8.000000000e+00, v7  }
0x76: {  	[tilespmem:s31+$0x90] =	vst v5;
	v0 =	vmul.f32 $8.000000000e+00, v0  }
0x77: {  	[tilespmem:s31+$0xA0] =	vst v6;
	v1 =	vmul.f32 $8.000000000e+00, v1  }
0x78: {  	s0 =	sshll.u32 s29, $0x2;
	[tilespmem:s31+$0xB0] =	vst v0;
	v0 =	vmul.f32 $8.000000000e+00, v4  }
0x79: {  	s0 =	sadd.s32 s5, s0;
	[tilespmem:s31+$0xC0] =	vst v1;
	v1 =	vmul.f32 $8.000000000e+00, v2  }
0x7a: {  	s1 =	smul.u32 $0x640, s0;
	v2 =	vmul.f32 $8.000000000e+00, v3;
	[tilespmem:s31+$0xD0] =	vst v0  }
0x7b: {  	[tilespmem:s31+$0xE0] =	vst v1  }
0x7c: {  	s0 =	smul.u32 $0x3200, s0;
	s1 =	sadd.s32 s2, s1;
	[tilespmem:s31+$0xFFFFFF00] =	vst v2  }
0x7d: {  	[hbm4b:s1+s3] =	stream.linear.scatter [tilespmem:s10], [sflag:$0x3], $0x3200, $0x38;
	[tilespmem:$0x12C00] =	vst v63  }
0x7e: {  	s0 =	sshrl.u32 s0, $0x3;
	_ =	swait.ge [sflag:s8], $0x3200  }
0x7f: {  	s0 =	sadd.s32 s2, s0;
	[sflag:s8] =	ssyncset.done $0x0  }
0x80: {  	p0 =	seq.s32 s29, $0x1F;
	s0 =	sadd.s32 $0x640, s0;
	[sflag:s8] =	ssyncadd.s32 $0xFFFFCE00  }
0x81: {  	[hbm4b:s0+s3] =	stream.linear.scatter [tilespmem:s24], [sflag:$0x3], $0x3200, $0x38;
	[tilespmem:$0x12C00] =	vst v63  }
0x82: {  	s0 =	smul.u32 @!p0 $0xC80, s29  }
0x83: {  	_ =	swait.ge [sflag:s8], $0x3200  }
0x84: {  	s11 =	simm.s32 @!p0 $0x6400;
	[sflag:s8] =	ssyncset.done $0x0;
	s0 =	sshra.s32 @!p0 s0, $0x2  }
0x85: {  	s31 =	simm.s32 @!p0 $0x50;
	[sflag:s8] =	ssyncadd.s32 $0xFFFFCE00;
	s1 =	sadd.s32 @!p0 $0x320, s0  }
0x86: {  	[tilespmem:s11], [sflag:$0x1] =	stream.indirect.gather @!p0 [hbm4b:s4+s31], $0x40, s1, s31, $0xb8;
	[tilespmem:$0x12C00] =	vst v63  }
0x87: {  	s1 =	sadd.s32 @!p0 $0x370, s0;
	s11 =	simm.s32 @!p0 $0x7800  }
0x88: {  	[tilespmem:s11], [sflag:$0x1] =	stream.indirect.gather @!p0 [hbm4b:s4+s31], $0x40, s1, s31, $0xb8;
	[tilespmem:$0x12C00] =	vst v63  }
0x89: {  	s1 =	sadd.s32 @!p0 $0x3C0, s0;
	s11 =	simm.s32 @!p0 $0x8C00  }
0x8a: {  	[tilespmem:s11], [sflag:$0x1] =	stream.indirect.gather @!p0 [hbm4b:s4+s31], $0x40, s1, s31, $0xb8;
	[tilespmem:$0x12C00] =	vst v63  }
0x8b: {  	s1 =	sadd.s32 @!p0 $0x410, s0;
	s11 =	simm.s32 @!p0 $0xA000  }
0x8c: {  	[tilespmem:s11], [sflag:$0x1] =	stream.indirect.gather @!p0 [hbm4b:s4+s31], $0x40, s1, s31, $0xb8;
	[tilespmem:$0x12C00] =	vst v63  }
0x8d: {  	s0 =	sadd.s32 @!p0 $0x460, s0;
	s1 =	simm.s32 @!p0 $0xB400  }
0x8e: {  	[tilespmem:s1], [sflag:$0x1] =	stream.indirect.gather @!p0 [hbm4b:s4+s31], $0x40, s0, s31, $0xb8;
	[tilespmem:$0x12C00] =	vst v63  }
0x8f: {  	_ =	swait.ge [sflag:s25], $0x1400  }
0x90: {  	[sflag:s25] =	ssyncset.done $0x0  }
0x91: {  	[sflag:s25] =	ssyncadd.s32 $0xFFFFEC00  }
0x92: {  	_ =	swait.ge [sflag:s25], $0x1400  }
0x93: {  	[sflag:s25] =	ssyncset.done $0x0  }
0x94: {  	[sflag:s25] =	ssyncadd.s32 $0xFFFFEC00  }
0x95: {  	_ =	swait.ge [sflag:s25], $0x1400  }
0x96: {  	[sflag:s25] =	ssyncset.done $0x0  }
0x97: {  	[sflag:s25] =	ssyncadd.s32 $0xFFFFEC00  }
0x98: {  	_ =	swait.ge [sflag:s25], $0x1400  }
0x99: {  	[sflag:s25] =	ssyncset.done $0x0  }
0x9a: {  	[sflag:s25] =	ssyncadd.s32 $0xFFFFEC00  }
0x9b: {  	_ =	swait.ge [sflag:s25], $0x1400  }
0x9c: {  	[sflag:s25] =	ssyncset.done $0x0  }
0x9d: {  	s31 =	simm.s32 $0xC800;
	[sflag:s25] =	ssyncadd.s32 $0xFFFFEC00  }
0x9e: {  	v0 =	vld [tilespmem:s31+$0x1F0]  }
0x9f: {  	v1 =	vld [tilespmem:s31+$0x10]  }
0xa0: {  	v2 =	vld [tilespmem:s31+$0x20]  }
0xa1: {  	v3 =	vld [tilespmem:s31+$0x30]  }
0xa2: {  	v4 =	vld [tilespmem:s31+$0x40]  }
0xa3: {  	v5 =	vld [tilespmem:s31+$0x50];
	v0 =	vmul.f32 $8.000000000e+00, v0  }
0xa4: {  	v6 =	vld [tilespmem:s31+$0x60];
	v1 =	vmul.f32 $8.000000000e+00, v1  }
0xa5: {  	v7 =	vld [tilespmem:s31+$0x70];
	v2 =	vmul.f32 $8.000000000e+00, v2;
	[tilespmem:s31+$0x1F0] =	vst v0  }
0xa6: {  	[tilespmem:s31+$0x10] =	vst v1;
	v0 =	vmul.f32 $8.000000000e+00, v3;
	v1 =	vld [tilespmem:s31+$0x80]  }
0xa7: {  	[tilespmem:s31+$0x20] =	vst v2;
	v2 =	vmul.f32 $8.000000000e+00, v4;
	v3 =	vld [tilespmem:s31+$0x90]  }
0xa8: {  	v4 =	vld [tilespmem:s31+$0xA0];
	[tilespmem:s31+$0x30] =	vst v0;
	v0 =	vmul.f32 $8.000000000e+00, v5  }
0xa9: {  	[tilespmem:s31+$0x40] =	vst v2;
	v2 =	vmul.f32 $8.000000000e+00, v6;
	v5 =	vld [tilespmem:s31+$0xB0]  }
0xaa: {  	v6 =	vld [tilespmem:s31+$0xC0];
	[tilespmem:s31+$0x50] =	vst v0;
	v0 =	vmul.f32 $8.000000000e+00, v7  }
0xab: {  	[tilespmem:s31+$0x60] =	vst v2;
	v2 =	vld [tilespmem:s31+$0xD0];
	v1 =	vmul.f32 $8.000000000e+00, v1  }
0xac: {  	[tilespmem:s31+$0x70] =	vst v0;
	v0 =	vmul.f32 $8.000000000e+00, v3;
	v3 =	vld [tilespmem:s31+$0xE0]  }
0xad: {  	[tilespmem:s31+$0x80] =	vst v1;
	v1 =	vmul.f32 $8.000000000e+00, v4;
	v4 =	vld [tilespmem:s31+$0xF0]  }
0xae: {  	[tilespmem:s31+$0x90] =	vst v0;
	v0 =	vmul.f32 $8.000000000e+00, v5;
	v5 =	vld [tilespmem:s31+$0x100]  }
0xaf: {  	[tilespmem:s31+$0xA0] =	vst v1;
	v1 =	vmul.f32 $8.000000000e+00, v6;
	v6 =	vld [tilespmem:s31+$0x110]  }
0xb0: {  	[tilespmem:s31+$0xB0] =	vst v0;
	v0 =	vmul.f32 $8.000000000e+00, v2;
	v2 =	vld [tilespmem:s31+$0x120]  }
0xb1: {  	[tilespmem:s31+$0xC0] =	vst v1;
	v1 =	vmul.f32 $8.000000000e+00, v3;
	v3 =	vld [tilespmem:s31+$0x130]  }
0xb2: {  	[tilespmem:s31+$0xD0] =	vst v0;
	v0 =	vmul.f32 $8.000000000e+00, v4;
	v4 =	vld [tilespmem:s31+$0x140]  }
0xb3: {  	[tilespmem:s31+$0xE0] =	vst v1;
	v1 =	vmul.f32 $8.000000000e+00, v5;
	v5 =	vld [tilespmem:s31+$0x150]  }
0xb4: {  	[tilespmem:s31+$0xF0] =	vst v0;
	v0 =	vmul.f32 $8.000000000e+00, v6;
	v6 =	vld [tilespmem:s31+$0x160]  }
0xb5: {  	[tilespmem:s31+$0x100] =	vst v1;
	v1 =	vmul.f32 $8.000000000e+00, v2;
	v2 =	vld [tilespmem:s31+$0x170]  }
0xb6: {  	[tilespmem:s31+$0x110] =	vst v0;
	v0 =	vmul.f32 $8.000000000e+00, v3;
	v3 =	vld [tilespmem:s31+$0x180]  }
0xb7: {  	v7 =	vld [tilespmem:s31+$0x190];
	[tilespmem:s31+$0x120] =	vst v1;
	v1 =	vmul.f32 $8.000000000e+00, v4  }
0xb8: {  	v8 =	vld [tilespmem:s31+$0x1A0];
	[tilespmem:s31+$0x130] =	vst v0;
	v4 =	vmul.f32 $8.000000000e+00, v5  }
0xb9: {  	v0 =	vld [tilespmem:s31+$0x1B0];
	[tilespmem:s31+$0x140] =	vst v1;
	v5 =	vmul.f32 $8.000000000e+00, v6  }
0xba: {  	v1 =	vld [tilespmem:s31+$0x1C0];
	[tilespmem:s31+$0x150] =	vst v4;
	v2 =	vmul.f32 $8.000000000e+00, v2  }
0xbb: {  	v4 =	vld [tilespmem:s31+$0x1D0];
	[tilespmem:s31+$0x160] =	vst v5;
	v6 =	vmul.f32 $8.000000000e+00, v3  }
0xbc: {  	v5 =	vmul.f32 $8.000000000e+00, v7;
	[tilespmem:s31+$0x170] =	vst v2;
	v2 =	vld [tilespmem:s31+$0x1E0]  }
0xbd: {  	s1 =	simm.s32 $0x0;
	s0 =	simm.s32 $0xCA00;
	v3 =	vld [tilespmem:s31+$0x0];
	[tilespmem:s31+$0x180] =	vst v6;
	v6 =	vmul.f32 $8.000000000e+00, v8  }
.LBB2_5:
0xbe: {  	v7 =	vld [tilespmem:s0+$0x1F0];
	s1 =	sadd.s32 $0x8, s1;
	[tilespmem:s31+$0x190] =	vst v5;
	v0 =	vmul.f32 $8.000000000e+00, v0  }
0xbf: {  	v5 =	vld [tilespmem:s0+$0x10];
	p0 =	slt.u32 s1, $0x188;
	[tilespmem:s31+$0x1A0] =	vst v6;
	v1 =	vmul.f32 $8.000000000e+00, v1  }
0xc0: {  	v6 =	vld [tilespmem:s0+$0x20];
	[tilespmem:s31+$0x1B0] =	vst v0;
	v0 =	vmul.f32 $8.000000000e+00, v4  }
0xc1: {  	v4 =	vld [tilespmem:s0+$0x30];
	[tilespmem:s31+$0x1C0] =	vst v1;
	v1 =	vmul.f32 $8.000000000e+00, v2  }
0xc2: {  	v2 =	vld [tilespmem:s0+$0x40];
	v3 =	vmul.f32 $8.000000000e+00, v3;
	[tilespmem:s31+$0x1D0] =	vst v0  }
0xc3: {  	v0 =	vld [tilespmem:s0+$0x50];
	v7 =	vmul.f32 $8.000000000e+00, v7;
	[tilespmem:s31+$0x1E0] =	vst v1  }
0xc4: {  	v1 =	vmul.f32 $8.000000000e+00, v5;
	v5 =	vld [tilespmem:s0+$0x60];
	[tilespmem:s31+$0x0] =	vst v3;
	s31 =	smov.u32 s0  }
0xc5: {  	v3 =	vmul.f32 $8.000000000e+00, v6;
	v6 =	vld [tilespmem:s0+$0x70];
	[tilespmem:s0+$0x1F0] =	vst v7  }
0xc6: {  	[tilespmem:s0+$0x10] =	vst v1;
	v1 =	vmul.f32 $8.000000000e+00, v4;
	v4 =	vld [tilespmem:s0+$0x80]  }
0xc7: {  	[tilespmem:s0+$0x20] =	vst v3;
	v2 =	vmul.f32 $8.000000000e+00, v2;
	v3 =	vld [tilespmem:s0+$0x90]  }
0xc8: {  	[tilespmem:s0+$0x30] =	vst v1;
	v0 =	vmul.f32 $8.000000000e+00, v0;
	v1 =	vld [tilespmem:s0+$0xA0]  }
0xc9: {  	[tilespmem:s0+$0x40] =	vst v2;
	v2 =	vmul.f32 $8.000000000e+00, v5;
	v5 =	vld [tilespmem:s0+$0xB0]  }
0xca: {  	[tilespmem:s0+$0x50] =	vst v0;
	v0 =	vmul.f32 $8.000000000e+00, v6;
	v6 =	vld [tilespmem:s0+$0xC0]  }
0xcb: {  	[tilespmem:s0+$0x60] =	vst v2;
	v2 =	vmul.f32 $8.000000000e+00, v4;
	v4 =	vld [tilespmem:s0+$0xD0]  }
0xcc: {  	[tilespmem:s0+$0x70] =	vst v0;
	v0 =	vmul.f32 $8.000000000e+00, v3;
	v3 =	vld [tilespmem:s0+$0xE0]  }
0xcd: {  	[tilespmem:s0+$0x80] =	vst v2;
	v1 =	vmul.f32 $8.000000000e+00, v1;
	v2 =	vld [tilespmem:s0+$0xF0]  }
0xce: {  	[tilespmem:s0+$0x90] =	vst v0;
	v0 =	vmul.f32 $8.000000000e+00, v5;
	v5 =	vld [tilespmem:s0+$0x100]  }
0xcf: {  	[tilespmem:s0+$0xA0] =	vst v1;
	v1 =	vmul.f32 $8.000000000e+00, v6;
	v6 =	vld [tilespmem:s0+$0x110]  }
0xd0: {  	[tilespmem:s0+$0xB0] =	vst v0;
	v0 =	vmul.f32 $8.000000000e+00, v4;
	v4 =	vld [tilespmem:s0+$0x120]  }
0xd1: {  	[tilespmem:s0+$0xC0] =	vst v1;
	v1 =	vmul.f32 $8.000000000e+00, v3;
	v3 =	vld [tilespmem:s0+$0x130]  }
0xd2: {  	[tilespmem:s0+$0xD0] =	vst v0;
	v0 =	vmul.f32 $8.000000000e+00, v2;
	v2 =	vld [tilespmem:s0+$0x140]  }
0xd3: {  	[tilespmem:s0+$0xE0] =	vst v1;
	v1 =	vmul.f32 $8.000000000e+00, v5;
	v5 =	vld [tilespmem:s0+$0x150]  }
0xd4: {  	[tilespmem:s0+$0xF0] =	vst v0;
	v0 =	vmul.f32 $8.000000000e+00, v6;
	v6 =	vld [tilespmem:s0+$0x160]  }
0xd5: {  	[tilespmem:s0+$0x100] =	vst v1;
	v1 =	vmul.f32 $8.000000000e+00, v4;
	v4 =	vld [tilespmem:s0+$0x170]  }
0xd6: {  	[tilespmem:s0+$0x110] =	vst v0;
	v0 =	vmul.f32 $8.000000000e+00, v3;
	v3 =	vld [tilespmem:s0+$0x180]  }
0xd7: {  	[tilespmem:s0+$0x120] =	vst v1;
	v1 =	vmul.f32 $8.000000000e+00, v2;
	v2 =	vld [tilespmem:s0+$0x190]  }
0xd8: {  	[tilespmem:s0+$0x130] =	vst v0;
	v5 =	vmul.f32 $8.000000000e+00, v5;
	v7 =	vld [tilespmem:s0+$0x1A0]  }
.Ltmp1:
0xd9: {  	[tilespmem:s0+$0x140] =	vst v1;
	v6 =	vmul.f32 $8.000000000e+00, v6;
	v0 =	vld [tilespmem:s0+$0x1B0];
	(pc) =	sbr.rel @p0 .LBB2_5-.Ltmp1, $4  }
0xda: {  	[tilespmem:s0+$0x150] =	vst v5;
	v5 =	vmul.f32 $8.000000000e+00, v4;
	v1 =	vld [tilespmem:s0+$0x1C0]  }
0xdb: {  	[tilespmem:s0+$0x160] =	vst v6;
	v6 =	vmul.f32 $8.000000000e+00, v3;
	v4 =	vld [tilespmem:s0+$0x1D0]  }
0xdc: {  	[tilespmem:s0+$0x170] =	vst v5;
	v5 =	vmul.f32 $8.000000000e+00, v2;
	v2 =	vld [tilespmem:s0+$0x1E0]  }
0xdd: {  	s0 =	sadd.s32 $0x200, s0;
	v3 =	vld [tilespmem:s31+$0x0];
	[tilespmem:s31+$0x180] =	vst v6;
	v6 =	vmul.f32 $8.000000000e+00, v7  }
0xde: {  	[tilespmem:s31+$0x190] =	vst v5;
	v0 =	vmul.f32 $8.000000000e+00, v0  }
0xdf: {  	[tilespmem:s31+$0x1A0] =	vst v6;
	v1 =	vmul.f32 $8.000000000e+00, v1  }
0xe0: {  	s0 =	sshll.u32 s30, $0x1;
	[tilespmem:s31+$0x1B0] =	vst v0;
	v61 =	vmul.f32 $8.000000000e+00, v4  }
0xe1: {  	s0 =	sadd.s32 s5, s0;
	[tilespmem:s31+$0x1C0] =	vst v1;
	v62 =	vmul.f32 $8.000000000e+00, v2  }
0xe2: {  	s1 =	smul.u32 $0x640, s0;
	v63 =	vmul.f32 $8.000000000e+00, v3;
	[tilespmem:s31+$0x1D0] =	vst v61  }
0xe3: {  	[tilespmem:s31+$0x1E0] =	vst v62  }
0xe4: {  	s0 =	smul.u32 $0x3200, s0;
	s1 =	sadd.s32 s2, s1;
	[tilespmem:s31+$0x0] =	vst v63  }
0xe5: {  	[hbm4b:s1+s3] =	stream.linear.scatter [tilespmem:s18], [sflag:$0x3], $0x3200, $0x38;
	[tilespmem:$0x12C00] =	vst v63  }
0xe6: {  	s29 =	sadd.s32 $0x1, s29;
	s0 =	sshrl.u32 s0, $0x3;
	_ =	swait.ge [sflag:s8], $0x3200  }
0xe7: {  	p0 =	sne.s32 s29, $0x20;
	s0 =	sadd.s32 s2, s0;
	[sflag:s8] =	ssyncset.done $0x0  }
.Ltmp2:
0xe8: {  	s0 =	sadd.s32 $0x640, s0;
	[sflag:s8] =	ssyncadd.s32 $0xFFFFCE00;
	(pc) =	sbr.rel @p0 .LBB2_2-.Ltmp2, $4  }
0xe9: {  	[hbm4b:s0+s3] =	stream.linear.scatter [tilespmem:s26], [sflag:$0x3], $0x3200, $0x38;
	[tilespmem:$0x12C00] =	vst v63  }
0xea: {  	_ =	swait.ge [sflag:s8], $0x3200  }
0xeb: {  	[sflag:s8] =	ssyncset.done $0x0  }
0xec: {  	[sflag:s8] =	ssyncadd.s32 $0xFFFFCE00  }
0xed: {  	s28 =	sadd.s32 $0x1, s28  }
0xee: {  	p0 =	sne.s32 s28, s7  }
.Ltmp3:
0xef: {  	_ = 	snop;
	(pc) =	sbr.rel @p0 .LBB2_1-.Ltmp3, $1  }
0xf0: {  	_ =	sdelay $0x3  }
0xf1: {  	_ =	sfence.sel $0x180000  }
0xf2: {  	[bflag:$0x0] =	sbarrier.arrive $0xFFFF  }
0xf3: {  	_ =	strace $0x90000047  }
0xf4: {  	s0 =	stileid.u32;
	[bflag:$0x2] =	sbarrier.arrive $0xFFFF  }
0xf5: {  	p0 =	sne.s32 s0, $0x0;
	s0 =	rddreg [dreg:$0x2]  }
0xf6: {  	s0 =	sadd.s32 @!p0 $0x100000, s0  }
0xf7: {  	[sflag:s0] =	ssyncadd.tile.s32 @!p0 $0x1;
	_ =	shalt  }
.Lfunc_end2:
_tile_overlayer_lowered:
.L_overlay_start_2:
0xf8: {  	(tag) =	ssettag $0x2  }
0xf9: {  	s0 =	rddreg [dreg:$0x0];
	s2 =	stileid.u32  }
0xfa: {  	s1 =	rddreg [dreg:$0x1];
	p0 =	sne.s32 s2, $0x0  }
0xfb: {  	s3 =	rddreg [dreg:$0x2];
	[bflag:$0x3] =	sbarrier.arrive $0xFFFF;
	s2 =	simm.s32 @!p0 $0x1C03  }
0xfc: {  	[timem:s3], [sflag:s2] =	dma.local @!p0 [hbm:s0], s1  }
0xfd: {  	s0 =	simm.s32 @!p0 $0x3  }
0xfe: {  	_ =	swait.ge @!p0 [sflag:s0], s1  }
0xff: {  	s1 =	ssub.s32 @!p0 $0x0, s1;
	[sflag:s0] =	ssyncset.done @!p0 $0x0  }
0x100: {  	[sflag:s0] =	ssyncadd.s32 @!p0 s1  }
0x101: {  	[bflag:$0x3] =	sbarrier.arrive $0xFFFF  }
0x102: {  	_ =	shalt  }

// kernel: sparse-core-data-format-call.cloned.1.call-start
scs
called_computation_lowered:
.L_overlay_start_0:
0x0: {  	s2 =	sld [smem:$0x3FD9]  }
0x1: {  	s3 =	sld [smem:$0x3FFE];
	_ =	sdelay $0x1  }
0x2: {  	s1 =	srdreg.scid  }
0x3: {  	s0 =	sand.u32 $0x1, s1  }
0x4: {  	s18 =	sshll.u32 s0, $0xA;
	s2 =	sadd.s32 s3, s2  }
0x5: {  	s2 =	sadd.s32 s2, s18  }
0x6: {  	[smem:$0x3FC6] =	sst s2  }
0x7: {  	_ = 	snop  }
0x8: {  	s2 =	sld [smem:$0x3FD0];
	(tm) =	ssettm $0x1  }
0x9: {  	s19 =	sld [smem:$0x3FFB];
	_ =	sdelay $0x3  }
0xa: {  	_ =	strace s19  }
0xb: {  	s3 =	sld [smem:$0x3FFC];
	_ =	sdelay $0x3  }
0xc: {  	_ =	strace s3  }
0xd: {  	s3 =	sld [smem:$0x3FFD];
	_ =	sdelay $0x3  }
0xe: {  	_ =	strace s3  }
0xf: {  	_ =	strace $0x8FFFFFFF  }
0x10: {  	s20 =	sld [smem:$0x3FDB];
	_ =	sdelay $0x1  }
0x11: {  	s4 =	simm.s32 $_scs_section_size  }
0x12: {  	s5 =	simm.s32 $_size__tile_overlayer_lowered;
	s6 =	simm.s32 $_tile_overlayer_lowered  }
0x13: {  	s23 =	simm.s32 $0x1BFF;
	s22 =	sshll.u32 s6, $0x1;
	s3 =	sadd.s32 s4, s20  }
0x14: {  	s7 =	simm.s32 $0x0;
	s21 =	sshll.u32 s5, $0x1;
	s5 =	sadd.s32 s22, s3  }
0x15: {  	[timem:s7], [sflag:s23] =	dma.local [hbm:s5], s21  }
0x16: {  	_ =	swait.ge [sflag:s23], s21  }
0x17: {  	s4 =	ssub.s32 $0x0, s21;
	[sflag:s23] =	ssyncset.done $0x0  }
0x18: {  	[sflag:s23] =	ssyncadd.s32 s4;
	_ =	sdelay $0x1  }
0x19: {  	s24 =	simm.s32 $0x1B8B  }
0x1a: {  	_ =	swait.ge [sflag:s24], $0x1  }
0x1b: {  	[sflag:s24] =	ssyncset.done $0x0  }
0x1c: {  	s26 =	simm.s32 $0x1B8E;
	s25 =	sld [smem:$0x3FFE];
	[sflag:s24] =	ssyncadd.s32 $0xFFFFFFFF  }
0x1d: {  	s27 =	simm.s32 $execute0_lowered;
	[smem:$0x3FD2] =	sst s26  }
0x1e: {  	s5 =	sshll.u32 s27, $0x1;
	_ =	strace $0x80000049;
	[dreg:$0x1] =	wrdreg $0xFFFFFFFF  }
0x1f: {  	s28 =	simm.s32 $_size_execute0_lowered;
	s3 =	sadd.s32 s3, s5;
	[dreg:$0x0] =	wrdreg $0x0  }
0x20: {  	s5 =	sshll.u32 s28, $0x1;
	[dreg:$0x2] =	wrdreg s3  }
0x21: {  	[dreg:$0x3] =	wrdreg s5  }
0x22: {  	[dreg:$0x4] =	wrdreg $0xC0  }
0x23: {  	_ =	task [dreg:s7], $0x5FFFF  }
0x24: {  	[dreg:$0x1] =	wrdreg $0xFFFFFFFF  }
0x25: {  	[dreg:$0x0] =	wrdreg $0x60  }
0x26: {  	[dreg:$0x2] =	wrdreg s25  }
0x27: {  	[dreg:$0x3] =	wrdreg s2  }
0x28: {  	[dreg:$0x4] =	wrdreg $0x9  }
0x29: {  	_ =	task.clear_ibuf [dreg:s7], $0x5FFFF;
	_ =	strace $0x90000049  }
0x2a: {  	s29 =	simm.s32 $0x9;
	_ =	strace $0x8000004B  }
0x2b: {  	_ =	swait.ge [sflag:s29], $0x1  }
0x2c: {  	[sflag:s29] =	ssyncadd.s32 $0xFFFFFFFF  }
0x2d: {  	_ =	strace $0x9000004B  }
0x2e: {  	_ =	sfence  }
0x2f: {  	s30 =	sld [smem:$0x0];
	_ =	sdelay $0x2  }
0x30: {  	s31 =	sshll.u32 s1, $0xD;
	s1 =	sshrl.u32 s1, $0x2  }
0x31: {  	s3 =	sand.u32 $0x4000, s31;
	s1 =	sadd.s32 s1, s30  }
0x32: {  	s0 =	sor.u32 s3, s0;
	s1 =	sshll.u32 s1, $0x11  }
0x33: {  	s0 =	sor.u32 s1, s0  }
0x34: {  	s0 =	sadd.s32 $0x8F2B, s0  }
0x35: {  	[sflag:s0] =	ssyncadd.remote.s32 $0x1  }
0x36: {  	_ =	sfence.sel $0xFFFF  }
0x37: {  	[dreg:$0x0] =	wrdreg $0xFFFFFFFF;
	(pc) =	sbr.abs _section_cstart, $3  }
0x38: {  	[dreg:$0x1] =	wrdreg $0xFFFFFFFF  }
0x39: {  	_ =	task.clear_ibuf [dreg:s7], $0x2FFFF;
	_ =	strace $0x9FFFFFFF  }
0x3a: {  	(tm) =	ssettm $0x7FFFFFFF  }
0x3b: {  	_ =	shalt  }
tec
execute0_lowered:
.L_overlay_start_1:
0x0: {  	(tag) =	ssettag $0x1  }
0x1: {  	s0 =	srdreg.scid  }
0x2: {  	s1 =	sshll.u32 s0, $0x4  }
0x3: {  	s0 =	stileid.u32;
	s1 =	sand.u32 $0x10, s1  }
0x4: {  	s1 =	sor.u32 s0, s1  }
0x5: {  	s6 =	rddreg [dreg:$0x0];
	s4 =	simm.s32 $0x1;
	s2 =	sshll.u32 s1, $0x7  }
0x6: {  	s7 =	simm.s32 $0x2;
	s12 =	simm.s32 $0x0;
	s1 =	ssub.s32 $0x1000, s2  }
0x7: {  	s8 =	simm.s32 $0x8000;
	s13 =	simm.s32 $0x0;
	s3 =	sand.u32 $0xF80, s1  }
0x8: {  	s9 =	simm.s32 $0x0;
	s5 =	sshrl.u32 s1, $0xC;
	p0 =	sne.s32 s3, $0x0  }
.Ltmp0:
0x9: {  	s1 =	rddreg [dreg:$0x2];
	s4 =	simm.s32 @!p0 $0x0;
	(pc) =	sbr.rel .LBB1_1-.Ltmp0, $4  }
0xa: {  	s11 =	simm.s32 $0x0;
	s3 =	rddreg [dreg:$0x1];
	s5 =	sadd.s32 s4, s5  }
0xb: {  	_ =	strace $0x8000004A;
	s4 =	simm.s32 $0x1;
	s5 =	smul.u32 $0xC8, s5  }
0xc: {  	s6 =	sadd.s32 $0xA00, s6;
	s10 =	smov.u32 s2;
	[sflag:s4] =	ssyncpa.u1 $0x0  }
0xd: {  	p0 =	por $0x0, $0x0;
	[sflag:s7] =	ssyncpa.u1 $0x0;
	s7 =	sor.u32 $0x1, s5  }
.LBB1_4:
0xe: {  	s16 =	sshll.u32 s13, $0x3;
	s17 =	sand.u32 $0x78, s13  }
0xf: {  	s30 =	sand.u32 $0x7E00, s13;
	s12 =	sshll.u32 s12, $0xF;
	s16 =	sand.u32 $0xC00, s16  }
0x10: {  	[tilespmem:s15+$0x810 ss:$0x81] =	vst.msk $0xffff, v2;
	s31 =	sand.u32 $0x7, s13;
	s16 =	sor.u32 s17, s16;
	s17 =	sadd.s32 s3, s30  }
0x11: {  	[tilespmem:s15+$0x1020 ss:$0x81] =	vst.msk $0xffff, v0;
	s13 =	sshll.u32 s31, $0x12;
	s12 =	sadd.s32 s12, s17;
	s16 =	sshrl.u32 s16, $0x3  }
0x12: {  	[tilespmem:s15+$0x0 ss:$0x81] =	vst.msk $0xffff, v1;
	s13 =	sor.u32 $0x400, s13;
	s12 =	sadd.s32 s16, s12  }
0x13: {  	[hbm4b:s12+s13] =	stream.strided.scatter [tilespmem:s14], [sflag:$0x2], $0x2000, s8, s13, $0x20;
	[tilespmem:$0x8080] =	vst v63  }
.LBB1_5:
0x14: {  	s14 =	sadd.s32 $0x1, s9  }
0x15: {  	s12 =	sadd.s32 $0x1000, s10;
	s16 =	smov.u32 s10;
	p2 =	sgt.s32 s14, $0xC7  }
0x16: {  	s16 =	smov.u32 @p2 s12  }
0x17: {  	s14 =	simm.s32 @p2 $0x0;
	p2 =	sgt.s32 s16, $0xFFF  }
0x18: {  	s16 =	smov.u32 @p2 s2;
	p2 =	sne.s32 s11, s7  }
.Ltmp1:
0x19: {  	p1 =	slt.u32 s11, $0x2;
	(pc) =	sbr.rel @!p2 .LBB1_6-.Ltmp1, $4  }
0x1a: {  	s15 =	simm.s32 @!p1 $0x2  }
0x1b: {  	s13 =	smov.u32 s10;
	p0 =	por !p0, !p0;
	_ =	swait.ge @!p1 [sflag:s15], $0x2000  }
0x1c: {  	s12 =	smov.u32 s9;
	[sflag:s15] =	ssyncset.done @!p1 $0x0;
	s9 =	smov.u32 s14  }
0x1d: {  	s11 =	sadd.s32 $0x1, s11;
	[sflag:s15] =	ssyncadd.s32 @!p1 $0xFFFFE000;
	s10 =	smov.u32 s16  }
.LBB1_1:
0x1e: {  	p1 =	sge.u32 s11, s5  }
0x1f: {  	s14 =	sand.u32 @!p1 $0x1FFFFFF, s9  }
0x20: {  	s15 =	smulhi.u32 @!p1 $0x147AE15, s14;
	_ =	sdelay $0x1  }
0x21: {  	s15 =	smul.u32 @!p1 $0xC8, s15  }
0x22: {  	s16 =	sxor.u32 @!p1 $0xFFFFFFFF, s11;
	s17 =	smul.u32 @!p1 $0xC80, s10  }
0x23: {  	s31 =	sadd.s32 $0xFFFFFFFF, s11;
	s16 =	sshll.u32 @!p1 s16, $0xD;
	s14 =	ssub.s32 @!p1 s14, s15  }
0x24: {  	s15 =	sand.u32 @!p1 $0x2000, s16;
	s16 =	sadd.s32 @!p1 s6, s17;
	s14 =	sshll.u32 @!p1 s14, $0x4  }
0x25: {  	s17 =	simm.s32 @!p1 $0x6400;
	s14 =	sadd.s32 @!p1 s14, s16;
	s16 =	simm.s32 @!p1 $0x40  }
0x26: {  	[tilespmem:s15], [sflag:$0x1] =	stream.strided.gather @!p1 [hbm4b:s14+s16], $0x2000, s17, s16, $0x38;
	[tilespmem:$0x8080] =	vst v63  }
0x27: {  	p1 =	sge.u32 s31, s5  }
.Ltmp2:
0x28: {  	_ = 	snop;
	(pc) =	sbr.rel @p1 .LBB1_5-.Ltmp2, $1  }
0x29: {  	_ =	sdelay $0x3  }
0x2a: {  	s14 =	simm.s32 $0x1  }
0x2b: {  	_ =	swait.ge [sflag:s4], $0x2000;
	s14 =	simm.s32 @!p0 $0x0  }
0x2c: {  	[sflag:s4] =	ssyncset.done $0x0;
	s15 =	sshll.u32 s14, $0xD  }
0x2d: {  	[sflag:s4] =	ssyncadd.s32 $0xFFFFE000;
	s18 =	sor.u32 $0x20, s15  }
0x2e: {  	s14 =	smul.u32 $0x8100, s14;
	v3 =	vld [tilespmem:s18+$0x10]  }
0x2f: {  	s30 =	sand.u32 $0x1, s11;
	v2 =	vld [tilespmem:s18+$0xFFFFFFF0]  }
0x30: {  	s15 =	smul.u32 $0x8100, s30;
	s14 =	sshrl.u32 s14, $0x2;
	v0 =	vld [tilespmem:s18+$0x0]  }
0x31: {  	v1 =	vld [tilespmem:s18+$0xFFFFFFE0];
	s16 =	sor.u32 $0x4000, s14  }
0x32: {  	s31 =	sshrl.u32 s15, $0x2;
	s15 =	sadd.s32 $0x0, s16  }
0x33: {  	s17 =	simm.s32 $0x4;
	s18 =	sadd.s32 $0x40, s18;
	s14 =	sor.u32 $0x4000, s31;
	[tilespmem:s15+$0x1830 ss:$0x81] =	vst.msk $0xffff, v3  }
.LBB1_3:
0x34: {  	v3 =	vld [tilespmem:s18+$0x10];
	p1 =	sne.s32 s17, $0x1FC;
	[tilespmem:s15+$0x810 ss:$0x81] =	vst.msk $0xffff, v2;
	s19 =	smov.u32 s17;
	s17 =	sadd.s32 $0x4, s17  }
.Ltmp3:
0x35: {  	v2 =	vld [tilespmem:s18+$0xFFFFFFF0];
	[tilespmem:s15+$0x1020 ss:$0x81] =	vst.msk $0xffff, v0;
	(pc) =	sbr.rel @p1 .LBB1_3-.Ltmp3, $4  }
0x36: {  	v0 =	vld [tilespmem:s18+$0x0];
	[tilespmem:s15+$0x0 ss:$0x81] =	vst.msk $0xffff, v1  }
0x37: {  	s15 =	sshra.s32 s19, $0x2;
	v1 =	vld [tilespmem:s18+$0xFFFFFFE0]  }
0x38: {  	s15 =	sadd.s32 s15, s16  }
0x39: {  	s18 =	sadd.s32 $0x40, s18;
	[tilespmem:s15+$0x1830 ss:$0x81] =	vst.msk $0xffff, v3  }
.Ltmp4:
0x3a: {  	_ = 	snop;
	(pc) =	sbr.rel .LBB1_4-.Ltmp4, $1  }
0x3b: {  	_ =	sdelay $0x3  }
.LBB1_6:
0x3c: {  	_ =	sfence.sel $0x180000  }
0x3d: {  	s2 =	simm.s32 $0x1;
	[bflag:$0x0] =	sbarrier.arrive $0xFFFF  }
0x3e: {  	s31 =	simm.s32 $0x2;
	[sflag:s2] =	ssyncpa.u1 $0x1  }
0x3f: {  	[sflag:s31] =	ssyncpa.u1 $0x1  }
0x40: {  	p0 =	sne.s32 s0, $0x0;
	_ =	strace $0x9000004A  }
0x41: {  	s0 =	sadd.s32 @!p0 $0x100000, s1;
	[bflag:$0x2] =	sbarrier.arrive $0xFFFF  }
0x42: {  	[sflag:s0] =	ssyncadd.tile.s32 @!p0 $0x1;
	_ =	shalt  }
.Lfunc_end1:
_tile_overlayer_lowered:
.L_overlay_start_2:
0x43: {  	(tag) =	ssettag $0x2  }
0x44: {  	s0 =	rddreg [dreg:$0x0];
	s2 =	stileid.u32  }
0x45: {  	s1 =	rddreg [dreg:$0x1];
	p0 =	sne.s32 s2, $0x0  }
0x46: {  	s3 =	rddreg [dreg:$0x2];
	[bflag:$0x3] =	sbarrier.arrive $0xFFFF;
	s2 =	simm.s32 @!p0 $0x1C01  }
0x47: {  	[timem:s3], [sflag:s2] =	dma.local @!p0 [hbm:s0], s1  }
0x48: {  	s0 =	simm.s32 @!p0 $0x1  }
0x49: {  	_ =	swait.ge @!p0 [sflag:s0], s1  }
0x4a: {  	s1 =	ssub.s32 @!p0 $0x0, s1;
	[sflag:s0] =	ssyncset.done @!p0 $0x0  }
0x4b: {  	[sflag:s0] =	ssyncadd.s32 @!p0 s1  }
0x4c: {  	[bflag:$0x3] =	sbarrier.arrive $0xFFFF  }
0x4d: {  	_ =	shalt  }

</sc_bundles>
